<compile_context>
chip_gen: v7x
topology: tpu7x:2x2x1
jax: 0.10.2.dev20260603
libtpu: 0.0.44.dev20260713+nightly
codegen_flags: <defaults>
</compile_context>

<pallas_src>
import jax
import jax.numpy as jnp
from jax import lax
from jax.experimental import pallas as pl
from jax.experimental.pallas import tpu as pltpu
from jax.experimental.pallas import tpu_sc as plsc

N = 10000
E = 320000
DIN = 128
H = 128
H2 = 64
C = 10
G = 64

NP = 10240
NC = 2
NS = 16
NW = NC * NS
EPT = E // NW
K1 = 112
E1 = 10080
K2 = 128
E2 = 10112
ROWS = NP // NS
DEGW = 8

BN = 512
NB = NP // BN


def _mesh():
    return plsc.VectorSubcoreMesh(core_axis_name="c", subcore_axis_name="s")


def _deg_body(dst_hbm, zeros_hbm, ones_hbm, out_hbm, didx, ones_v, acc):
    cid = lax.axis_index("c")
    sid = lax.axis_index("s")
    wid = cid * NS + sid
    pltpu.sync_copy(zeros_hbm, acc.at[pl.ds(sid * ROWS, ROWS)])
    pltpu.sync_copy(ones_hbm, ones_v)
    plsc.subcore_barrier()
    pltpu.sync_copy(dst_hbm.at[wid], didx)

    def chunk(i, _):
        pltpu.sync_copy(ones_v, acc.at[didx.at[i]], add=True)
        return 0
    lax.fori_loop(0, E2 // K2, chunk, 0)
    plsc.subcore_barrier()
    pltpu.sync_copy(acc.at[pl.ds(sid * ROWS, ROWS)],
                    out_hbm.at[cid, pl.ds(sid * ROWS, ROWS)])


def _agg_body_for(width, kc, etot, nbuf):
    nch = etot // kc

    def body(src_hbm, dst_hbm, table_hbm, zeros_hbm, out_hbm, sidx, didx,
             *rest):
        bufs = rest[:nbuf]
        acc, sem, zsem = rest[nbuf:]
        cid = lax.axis_index("c")
        sid = lax.axis_index("s")
        wid = cid * NS + sid
        pltpu.async_copy(zeros_hbm, acc.at[pl.ds(sid * ROWS, ROWS)], zsem)
        pltpu.sync_copy(src_hbm.at[wid], sidx)
        pltpu.sync_copy(dst_hbm.at[wid], didx)
        for j in range(nbuf):
            pltpu.async_copy(table_hbm.at[sidx.at[j]], bufs[j], sem)
        pltpu.make_async_copy(zeros_hbm, acc.at[pl.ds(sid * ROWS, ROWS)],
                              zsem).wait()
        plsc.subcore_barrier()

        def step(c, b):
            pltpu.make_async_copy(table_hbm.at[sidx.at[c]], bufs[b],
                                  sem).wait()
            pltpu.sync_copy(bufs[b], acc.at[didx.at[c]], add=True)

            @pl.when(c + nbuf < nch)
            def _():
                pltpu.async_copy(table_hbm.at[sidx.at[c + nbuf]], bufs[b],
                                 sem)

        def rnd(t, _):
            for j in range(nbuf):
                step(nbuf * t + j, j)
            return 0
        lax.fori_loop(0, nch // nbuf, rnd, 0)
        for c in range(nch - nch % nbuf, nch):
            step(c, c % nbuf)
        plsc.subcore_barrier()
        pltpu.sync_copy(acc.at[pl.ds(sid * ROWS, ROWS)],
                        out_hbm.at[cid, pl.ds(sid * ROWS, ROWS)])
    return body


def _agg_call(width, kc, etot, nbuf, src3, dst3, table):
    nch = etot // kc
    kern = pl.kernel(
        _agg_body_for(width, kc, etot, nbuf),
        out_type=jax.ShapeDtypeStruct((NC, NP, width), jnp.float32),
        mesh=_mesh(),
        scratch_types=[
            pltpu.VMEM((nch, kc), jnp.int32),
            pltpu.VMEM((nch, kc), jnp.int32),
        ] + [pltpu.VMEM((kc, width), jnp.float32) for _ in range(nbuf)] + [
            pltpu.VMEM_SHARED((NP, width), jnp.float32),
            pltpu.SemaphoreType.DMA,
            pltpu.SemaphoreType.DMA,
        ],
        compiler_params=pltpu.CompilerParams(use_tc_tiling_on_sc=False),
    )
    return kern(src3, dst3, table, jnp.zeros((ROWS, width), jnp.float32))


def _dinv_block(deg_ref):
    d = deg_ref[0, :, 0:1] + deg_ref[1, :, 0:1] + 1.0
    return lax.rsqrt(d)


def _t1_body(x_ref, w_ref, deg_ref, o_ref):
    dinv = _dinv_block(deg_ref)
    h = jnp.dot(x_ref[...], w_ref[...], preferred_element_type=jnp.float32,
                precision=lax.Precision.HIGHEST)
    o_ref[...] = h * dinv


def _t2_body(agg_ref, hs1_ref, deg_ref, b_ref, w_ref, o_ref):
    dinv = _dinv_block(deg_ref)
    tot = agg_ref[0] + agg_ref[1] + hs1_ref[...]
    h1 = jnp.maximum(tot * dinv + b_ref[...], 0.0)
    h2 = jnp.dot(h1, w_ref[...], preferred_element_type=jnp.float32,
                 precision=lax.Precision.HIGHEST)
    o_ref[...] = h2 * dinv


def _t3_body(agg_ref, hs2_ref, deg_ref, b_ref, batch_ref, wfc_ref, bfc_ref,
             o_ref, pool_acc, cnt_acc):
    i = pl.program_id(0)
    dinv = _dinv_block(deg_ref)
    tot = agg_ref[0] + agg_ref[1] + hs2_ref[...]
    h2 = jnp.maximum(tot * dinv + b_ref[...], 0.0)
    gid = lax.broadcasted_iota(jnp.int32, (BN, G), 1)
    m = jnp.where(batch_ref[...] == gid, 1.0, 0.0)

    @pl.when(i == 0)
    def _init():
        pool_acc[...] = jnp.zeros_like(pool_acc)
        cnt_acc[...] = jnp.zeros_like(cnt_acc)

    dn = (((0,), (0,)), ((), ()))
    pool_acc[...] += lax.dot_general(m, h2, dn,
                                     preferred_element_type=jnp.float32,
                                     precision=lax.Precision.HIGHEST)
    cnt_acc[...] += lax.dot_general(m, jnp.ones((BN, 1), jnp.float32), dn,
                                    preferred_element_type=jnp.float32,
                                    precision=lax.Precision.HIGHEST)

    @pl.when(i == NB - 1)
    def _fin():
        pooled = pool_acc[...] / jnp.maximum(cnt_acc[...], 1.0)
        o_ref[...] = jnp.dot(pooled, wfc_ref[...],
                             preferred_element_type=jnp.float32,
                             precision=lax.Precision.HIGHEST) + bfc_ref[...]


def kernel(x, edge_index, batch, W1, b1, W2, b2, Wfc, bfc):
    x = x.astype(jnp.float32)
    ei = edge_index.astype(jnp.int32)
    src1 = jnp.pad(ei[0].reshape(NW, EPT), ((0, 0), (0, E1 - EPT)),
                   constant_values=0)
    dst1 = jnp.pad(ei[1].reshape(NW, EPT), ((0, 0), (0, E1 - EPT)),
                   constant_values=NP - 1)
    src2 = jnp.pad(ei[0].reshape(NW, EPT), ((0, 0), (0, E2 - EPT)),
                   constant_values=0)
    dst2 = jnp.pad(ei[1].reshape(NW, EPT), ((0, 0), (0, E2 - EPT)),
                   constant_values=NP - 1)
    src3a = src1.reshape(NW, E1 // K1, K1)
    dst3a = dst1.reshape(NW, E1 // K1, K1)
    src3b = src2.reshape(NW, E2 // K2, K2)
    dst3b = dst2.reshape(NW, E2 // K2, K2)
    x_p = jnp.pad(x, ((0, NP - N), (0, 0)))
    batch_p = jnp.pad(batch.astype(jnp.int32), (0, NP - N),
                      constant_values=G).reshape(NP, 1)
    W1T = W1.T
    W2T = W2.T
    WfcT = Wfc.T
    b1r = b1.reshape(1, H)
    b2r = b2.reshape(1, H2)
    bfcr = bfc.reshape(1, C)

    degacc = pl.kernel(
        _deg_body,
        out_type=jax.ShapeDtypeStruct((NC, NP, DEGW), jnp.float32),
        mesh=_mesh(),
        scratch_types=[
            pltpu.VMEM((E2 // K2, K2), jnp.int32),
            pltpu.VMEM((K2, DEGW), jnp.float32),
            pltpu.VMEM_SHARED((NP, DEGW), jnp.float32),
        ],
        compiler_params=pltpu.CompilerParams(use_tc_tiling_on_sc=False),
    )(dst3b, jnp.zeros((ROWS, DEGW), jnp.float32),
      jnp.ones((K2, DEGW), jnp.float32))

    hs1 = pl.pallas_call(
        _t1_body,
        grid=(NB,),
        in_specs=[
            pl.BlockSpec((BN, DIN), lambda i: (i, 0)),
            pl.BlockSpec((DIN, H), lambda i: (0, 0)),
            pl.BlockSpec((NC, BN, DEGW), lambda i: (0, i, 0)),
        ],
        out_specs=pl.BlockSpec((BN, H), lambda i: (i, 0)),
        out_shape=jax.ShapeDtypeStruct((NP, H), jnp.float32),
    )(x_p, W1T, degacc)

    aggB = _agg_call(H, K1, E1, 2, src3a, dst3a, hs1)

    hs2 = pl.pallas_call(
        _t2_body,
        grid=(NB,),
        in_specs=[
            pl.BlockSpec((NC, BN, H), lambda i: (0, i, 0)),
            pl.BlockSpec((BN, H), lambda i: (i, 0)),
            pl.BlockSpec((NC, BN, DEGW), lambda i: (0, i, 0)),
            pl.BlockSpec((1, H), lambda i: (0, 0)),
            pl.BlockSpec((H, H2), lambda i: (0, 0)),
        ],
        out_specs=pl.BlockSpec((BN, H2), lambda i: (i, 0)),
        out_shape=jax.ShapeDtypeStruct((NP, H2), jnp.float32),
    )(aggB, hs1, degacc, b1r, W2T)

    aggC = _agg_call(H2, K2, E2, 4, src3b, dst3b, hs2)

    out = pl.pallas_call(
        _t3_body,
        grid=(NB,),
        in_specs=[
            pl.BlockSpec((NC, BN, H2), lambda i: (0, i, 0)),
            pl.BlockSpec((BN, H2), lambda i: (i, 0)),
            pl.BlockSpec((NC, BN, DEGW), lambda i: (0, i, 0)),
            pl.BlockSpec((1, H2), lambda i: (0, 0)),
            pl.BlockSpec((BN, 1), lambda i: (i, 0)),
            pl.BlockSpec((H2, C), lambda i: (0, 0)),
            pl.BlockSpec((1, C), lambda i: (0, 0)),
        ],
        out_specs=pl.BlockSpec((G, C), lambda i: (0, 0)),
        out_shape=jax.ShapeDtypeStruct((G, C), jnp.float32),
        scratch_shapes=[
            pltpu.VMEM((G, H2), jnp.float32),
            pltpu.VMEM((G, 1), jnp.float32),
        ],
    )(aggC, hs2, degacc, b2r, batch_p, WfcT, bfcr)
    return out

# --- scband reference (transcript-rebuilt; emitter-appended) ---
"""Pipeline reference for scband-kmgcn-63634235457560 (READ-ONLY COPY).

The authoritative reference and input builder live on the scoring server;
editing this copy changes nothing except your own understanding.
"""

import jax, jax.numpy as jnp
import numpy as np

N = 10000
E = 320000
DIN = 128
H = 128
H2 = 64
C = 10
G = 64


def setup_inputs(seed: int = 0) -> dict:
    key = jax.random.key(seed)
    ks = jax.random.split(key, 10)
    x = jax.random.normal(ks[0], (N, DIN), dtype=jnp.float32)
    edge_index = jax.random.randint(ks[1], (2, E), 0, N)
    batch = jnp.sort(jax.random.randint(ks[2], (N,), 0, G))
    W1 = jax.random.normal(ks[3], (H, DIN), dtype=jnp.float32) * 0.05
    b1 = jnp.zeros((H,), dtype=jnp.float32)
    W2 = jax.random.normal(ks[4], (H2, H), dtype=jnp.float32) * 0.05
    b2 = jnp.zeros((H2,), dtype=jnp.float32)
    Wfc = jax.random.normal(ks[5], (C, H2), dtype=jnp.float32) * 0.05
    bfc = jnp.zeros((C,), dtype=jnp.float32)
    return {"x": x, "edge_index": edge_index, "batch": batch,
            "W1": W1, "b1": b1, "W2": W2, "b2": b2, "Wfc": Wfc, "bfc": bfc}


def _gcn_conv(x, src, dst, norm, W, b):
    # PyG GCNConv: h = x @ W.T, then symmetric-normalized aggregation, then + bias
    h = x @ W.T
    msg = h[src] * norm[:, None]
    out = jnp.zeros((x.shape[0], h.shape[1]), dtype=h.dtype).at[dst].add(msg)
    return out + b


def reference(x, edge_index, batch, W1, b1, W2, b2, Wfc, bfc):
    x = x.astype(jnp.float32)
    ei = edge_index.astype(jnp.int32)
    # add self loops
    loop = jnp.arange(N, dtype=jnp.int32)
    src = jnp.concatenate([ei[0], loop])
    dst = jnp.concatenate([ei[1], loop])
    # symmetric normalization D^{-1/2} (A+I) D^{-1/2}
    deg = jnp.zeros((N,), dtype=jnp.float32).at[dst].add(1.0)
    dinv = jnp.where(deg > 0, jax.lax.rsqrt(deg), 0.0)
    norm = dinv[src] * dinv[dst]
    # layer 1
    h = _gcn_conv(x, src, dst, norm, W1, b1)
    h = jax.nn.relu(h)
    # dropout is identity in eval mode
    # layer 2
    h = _gcn_conv(h, src, dst, norm, W2, b2)
    h = jax.nn.relu(h)
    # global mean pool over graphs in batch
    b = batch.astype(jnp.int32)
    sums = jax.ops.segment_sum(h, b, num_segments=G)
    counts = jax.ops.segment_sum(jnp.ones((N,), dtype=jnp.float32), b, num_segments=G)
    pooled = sums / jnp.clip(counts, 1.0)[:, None]
    # final classifier
    return pooled @ Wfc.T + bfc

if __name__ == "__main__":
    import jax
    _d = setup_inputs()
    print(jax.jit(kernel)(*tuple(_d.values())))

</pallas_src>

<mosaic_0001>
#map = affine_map<(d0, d1) -> (0, 0, 0)>
#map1 = affine_map<(d0, d1) -> (0, 0)>
module attributes {stable_mosaic.version = 14 : i64} {
  func.func @_deg_body(%arg0: i32, %arg1: i32, %arg2: memref<32x79x128xi32, #tpu.memory_space<hbm>>, %arg3: memref<640x8xf32, #tpu.memory_space<hbm>>, %arg4: memref<128x8xf32, #tpu.memory_space<hbm>>, %arg5: memref<2x10240x8xf32, #tpu.memory_space<hbm>>, %arg6: memref<79x128xi32, #tpu.memory_space<vmem>>, %arg7: memref<128x8xf32, #tpu.memory_space<vmem>>, %arg8: memref<10240x8xf32, #tpu.memory_space<vmem_shared>>) attributes {dimension_semantics = [#tpu.dimension_semantics<core_parallel>, #tpu.dimension_semantics<subcore_parallel>], iteration_bounds = array<i64: 2, 16>, scalar_prefetch = 0 : i64, scratch_operands = 3 : i64, tpu.core_type = #tpu.core_type<sc_vector_subcore>, window_params = [{transform_indices = #map}, {transform_indices = #map1}, {transform_indices = #map1}, {transform_indices = #map}]} {
    %mul3A = arith.constant 16 : i32
    %mul3A_0 = arith.muli %arg0, %mul3A : i32
    %add3A = arith.addi %mul3A_0, %arg1 : i32
    %mul3A_1 = arith.constant 640 : i32
    %mul3A_2 = arith.muli %arg1, %mul3A_1 : i32
    "tpu.region"() ({
      %run_scoped3A = tpu.sem_alloc : memref<!tpu.dma_semaphore, #tpu.memory_space<semaphore_mem>>
      %dma_start3A = arith.constant 0 : i32
      %dma_start3A_14 = tpu.memref_slice %arg8[%mul3A_2, %dma_start3A] : memref<10240x8xf32, #tpu.memory_space<vmem_shared>> -> memref<640x8xf32, #tpu.memory_space<vmem_shared>>
      tpu.enqueue_dma source(%arg3 : memref<640x8xf32, #tpu.memory_space<hbm>>) target(%dma_start3A_14 : memref<640x8xf32, #tpu.memory_space<vmem_shared>>) target_semaphore(%run_scoped3A : memref<!tpu.dma_semaphore, #tpu.memory_space<semaphore_mem>>)
      %dma_wait3A = arith.constant 0 : i32
      %dma_wait3A_15 = tpu.memref_slice %arg8[%mul3A_2, %dma_wait3A] : memref<10240x8xf32, #tpu.memory_space<vmem_shared>> -> memref<640x8xf32, #tpu.memory_space<vmem_shared>>
      tpu.wait_dma2 semaphore(%run_scoped3A : memref<!tpu.dma_semaphore, #tpu.memory_space<semaphore_mem>>) src(%arg3 : memref<640x8xf32, #tpu.memory_space<hbm>>) dst(%dma_wait3A_15 : memref<640x8xf32, #tpu.memory_space<vmem_shared>>)
      tpu.yield
    }) : () -> ()
    "tpu.region"() ({
      %run_scoped3A = tpu.sem_alloc : memref<!tpu.dma_semaphore, #tpu.memory_space<semaphore_mem>>
      tpu.enqueue_dma source(%arg4 : memref<128x8xf32, #tpu.memory_space<hbm>>) target(%arg7 : memref<128x8xf32, #tpu.memory_space<vmem>>) target_semaphore(%run_scoped3A : memref<!tpu.dma_semaphore, #tpu.memory_space<semaphore_mem>>)
      tpu.wait_dma2 semaphore(%run_scoped3A : memref<!tpu.dma_semaphore, #tpu.memory_space<semaphore_mem>>) src(%arg4 : memref<128x8xf32, #tpu.memory_space<hbm>>) dst(%arg7 : memref<128x8xf32, #tpu.memory_space<vmem>>)
      tpu.yield
    }) : () -> ()
    %barrier3A = arith.constant 0 : index
    tpu.barrier barrier_id(%barrier3A)
    "tpu.region"() ({
      %run_scoped3A = tpu.sem_alloc : memref<!tpu.dma_semaphore, #tpu.memory_space<semaphore_mem>>
      %dma_start3A = arith.constant 0 : i32
      %dma_start3A_14 = arith.constant 0 : i32
      %dma_start3A_15 = tpu.memref_slice %arg2[%add3A, %dma_start3A, %dma_start3A_14] : memref<32x79x128xi32, #tpu.memory_space<hbm>> -> memref<1x79x128xi32, #tpu.memory_space<hbm>>
      %dma_start3A_16 = tpu.memref_squeeze %dma_start3A_15 : memref<1x79x128xi32, #tpu.memory_space<hbm>> -> memref<79x128xi32, #tpu.memory_space<hbm>>
      %dma_start3A_17 = arith.constant 0 : i32
      %dma_start3A_18 = arith.constant 0 : i32
      %dma_start3A_19 = tpu.memref_slice %arg2[%add3A, %dma_start3A_17, %dma_start3A_18] : memref<32x79x128xi32, #tpu.memory_space<hbm>> -> memref<1x79x128xi32, #tpu.memory_space<hbm>>
      %dma_start3A_20 = tpu.memref_squeeze %dma_start3A_19 : memref<1x79x128xi32, #tpu.memory_space<hbm>> -> memref<79x128xi32, #tpu.memory_space<hbm>>
      tpu.enqueue_dma source(%dma_start3A_20 : memref<79x128xi32, #tpu.memory_space<hbm>>) target(%arg6 : memref<79x128xi32, #tpu.memory_space<vmem>>) target_semaphore(%run_scoped3A : memref<!tpu.dma_semaphore, #tpu.memory_space<semaphore_mem>>)
      %dma_wait3A = arith.constant 0 : i32
      %dma_wait3A_21 = arith.constant 0 : i32
      %dma_wait3A_22 = tpu.memref_slice %arg2[%add3A, %dma_wait3A, %dma_wait3A_21] : memref<32x79x128xi32, #tpu.memory_space<hbm>> -> memref<1x79x128xi32, #tpu.memory_space<hbm>>
      %dma_wait3A_23 = tpu.memref_squeeze %dma_wait3A_22 : memref<1x79x128xi32, #tpu.memory_space<hbm>> -> memref<79x128xi32, #tpu.memory_space<hbm>>
      %dma_wait3A_24 = arith.constant 0 : i32
      %dma_wait3A_25 = arith.constant 0 : i32
      %dma_wait3A_26 = tpu.memref_slice %arg2[%add3A, %dma_wait3A_24, %dma_wait3A_25] : memref<32x79x128xi32, #tpu.memory_space<hbm>> -> memref<1x79x128xi32, #tpu.memory_space<hbm>>
      %dma_wait3A_27 = tpu.memref_squeeze %dma_wait3A_26 : memref<1x79x128xi32, #tpu.memory_space<hbm>> -> memref<79x128xi32, #tpu.memory_space<hbm>>
      tpu.wait_dma2 semaphore(%run_scoped3A : memref<!tpu.dma_semaphore, #tpu.memory_space<semaphore_mem>>) src(%dma_wait3A_27 : memref<79x128xi32, #tpu.memory_space<hbm>>) dst(%arg6 : memref<79x128xi32, #tpu.memory_space<vmem>>)
      tpu.yield
    }) : () -> ()
    %scan3A = arith.constant 0 : i32
    %scan3A_3 = arith.constant 0 : i32
    %scan3A_4 = arith.constant 79 : i32
    %scan3A_5 = arith.addi %scan3A_3, %scan3A_4 : i32
    %scan3A_6 = arith.constant 1 : i32
    %scan3A_7 = scf.for %scan3A_14 = %scan3A_3 to %scan3A_5 step %scan3A_6 iter_args(%scan3A_15 = %scan3A) -> (i32)  : i32 {
      "tpu.region"() ({
        %run_scoped3A = tpu.sem_alloc : memref<!tpu.dma_semaphore, #tpu.memory_space<semaphore_mem>>
        %dma_start3A = arith.constant 0 : i32
        %dma_start3A_17 = tpu.memref_slice %arg6[%scan3A_14, %dma_start3A] : memref<79x128xi32, #tpu.memory_space<vmem>> -> memref<1x128xi32, #tpu.memory_space<vmem>>
        %dma_start3A_18 = tpu.memref_squeeze %dma_start3A_17 : memref<1x128xi32, #tpu.memory_space<vmem>> -> memref<128xi32, #tpu.memory_space<vmem>>
        %dma_start3A_19 = arith.constant 0 : i32
        %dma_start3A_20 = arith.constant 0 : i32
        %dma_start3A_21 = tpu.memref_slice %arg8[%dma_start3A_19, %dma_start3A_20] : memref<10240x8xf32, #tpu.memory_space<vmem_shared>> -> memref<10240x8xf32, #tpu.memory_space<vmem_shared>>
        tpu.enqueue_indirect_dma source(%arg7 : memref<128x8xf32, #tpu.memory_space<vmem>>) target(%dma_start3A_21 : memref<10240x8xf32, #tpu.memory_space<vmem_shared>>) offsets(%dma_start3A_18 : memref<128xi32, #tpu.memory_space<vmem>>) semaphore(%run_scoped3A : memref<!tpu.dma_semaphore, #tpu.memory_space<semaphore_mem>>) {add = true}
        %dma_wait3A = arith.constant 0 : i32
        %dma_wait3A_22 = tpu.memref_slice %arg6[%scan3A_14, %dma_wait3A] : memref<79x128xi32, #tpu.memory_space<vmem>> -> memref<1x128xi32, #tpu.memory_space<vmem>>
        %dma_wait3A_23 = tpu.memref_squeeze %dma_wait3A_22 : memref<1x128xi32, #tpu.memory_space<vmem>> -> memref<128xi32, #tpu.memory_space<vmem>>
        %dma_wait3A_24 = arith.constant 0 : i32
        %dma_wait3A_25 = arith.constant 0 : i32
        %dma_wait3A_26 = tpu.memref_slice %arg8[%dma_wait3A_24, %dma_wait3A_25] : memref<10240x8xf32, #tpu.memory_space<vmem_shared>> -> memref<10240x8xf32, #tpu.memory_space<vmem_shared>>
        tpu.wait_indirect_dma semaphore(%run_scoped3A : memref<!tpu.dma_semaphore, #tpu.memory_space<semaphore_mem>>) src(%arg7 : memref<128x8xf32, #tpu.memory_space<vmem>>) dst(%dma_wait3A_26 : memref<10240x8xf32, #tpu.memory_space<vmem_shared>>)
        tpu.yield
      }) : () -> ()
      %scan3A_16 = arith.constant 0 : i32
      scf.yield %scan3A_16 : i32
    }
    %scan3A_8 = arith.constant 79 : i32
    %barrier3A_9 = arith.constant 0 : index
    tpu.barrier barrier_id(%barrier3A_9)
    %mul3A_10 = arith.constant 640 : i32
    %mul3A_11 = arith.muli %arg1, %mul3A_10 : i32
    %mul3A_12 = arith.constant 640 : i32
    %mul3A_13 = arith.muli %arg1, %mul3A_12 : i32
    "tpu.region"() ({
      %run_scoped3A = tpu.sem_alloc : memref<!tpu.dma_semaphore, #tpu.memory_space<semaphore_mem>>
      %dma_start3A = arith.constant 0 : i32
      %dma_start3A_14 = tpu.memref_slice %arg5[%arg0, %mul3A_13, %dma_start3A] : memref<2x10240x8xf32, #tpu.memory_space<hbm>> -> memref<1x640x8xf32, #tpu.memory_space<hbm>>
      %dma_start3A_15 = tpu.memref_squeeze %dma_start3A_14 : memref<1x640x8xf32, #tpu.memory_space<hbm>> -> memref<640x8xf32, #tpu.memory_space<hbm>>
      %dma_start3A_16 = arith.constant 0 : i32
      %dma_start3A_17 = tpu.memref_slice %arg8[%mul3A_11, %dma_start3A_16] : memref<10240x8xf32, #tpu.memory_space<vmem_shared>> -> memref<640x8xf32, #tpu.memory_space<vmem_shared>>
      tpu.enqueue_dma source(%dma_start3A_17 : memref<640x8xf32, #tpu.memory_space<vmem_shared>>) target(%dma_start3A_15 : memref<640x8xf32, #tpu.memory_space<hbm>>) target_semaphore(%run_scoped3A : memref<!tpu.dma_semaphore, #tpu.memory_space<semaphore_mem>>)
      %dma_wait3A = arith.constant 0 : i32
      %dma_wait3A_18 = tpu.memref_slice %arg5[%arg0, %mul3A_13, %dma_wait3A] : memref<2x10240x8xf32, #tpu.memory_space<hbm>> -> memref<1x640x8xf32, #tpu.memory_space<hbm>>
      %dma_wait3A_19 = tpu.memref_squeeze %dma_wait3A_18 : memref<1x640x8xf32, #tpu.memory_space<hbm>> -> memref<640x8xf32, #tpu.memory_space<hbm>>
      %dma_wait3A_20 = arith.constant 0 : i32
      %dma_wait3A_21 = tpu.memref_slice %arg8[%mul3A_11, %dma_wait3A_20] : memref<10240x8xf32, #tpu.memory_space<vmem_shared>> -> memref<640x8xf32, #tpu.memory_space<vmem_shared>>
      tpu.wait_dma2 semaphore(%run_scoped3A : memref<!tpu.dma_semaphore, #tpu.memory_space<semaphore_mem>>) src(%dma_wait3A_21 : memref<640x8xf32, #tpu.memory_space<vmem_shared>>) dst(%dma_wait3A_19 : memref<640x8xf32, #tpu.memory_space<hbm>>)
      tpu.yield
    }) : () -> ()
    return
  }
}

#map = affine_map<(d0, d1) -> (0, 0, 0)>
#map1 = affine_map<(d0, d1) -> (0, 0)>
module attributes {stable_mosaic.version = 14 : i64} {
  func.func @body(%arg0: i32, %arg1: i32, %arg2: memref<32x90x112xi32, #tpu.memory_space<hbm>>, %arg3: memref<32x90x112xi32, #tpu.memory_space<hbm>>, %arg4: memref<10240x128xf32, #tpu.memory_space<hbm>>, %arg5: memref<640x128xf32, #tpu.memory_space<hbm>>, %arg6: memref<2x10240x128xf32, #tpu.memory_space<hbm>>, %arg7: memref<90x112xi32, #tpu.memory_space<vmem>>, %arg8: memref<90x112xi32, #tpu.memory_space<vmem>>, %arg9: memref<112x128xf32, #tpu.memory_space<vmem>>, %arg10: memref<112x128xf32, #tpu.memory_space<vmem>>, %arg11: memref<10240x128xf32, #tpu.memory_space<vmem_shared>>, %arg12: memref<!tpu.dma_semaphore, #tpu.memory_space<semaphore_mem>>, %arg13: memref<!tpu.dma_semaphore, #tpu.memory_space<semaphore_mem>>) attributes {dimension_semantics = [#tpu.dimension_semantics<core_parallel>, #tpu.dimension_semantics<subcore_parallel>], iteration_bounds = array<i64: 2, 16>, scalar_prefetch = 0 : i64, scratch_operands = 7 : i64, tpu.core_type = #tpu.core_type<sc_vector_subcore>, window_params = [{transform_indices = #map}, {transform_indices = #map}, {transform_indices = #map1}, {transform_indices = #map1}, {transform_indices = #map}]} {
    %mul3A = arith.constant 16 : i32
    %mul3A_0 = arith.muli %arg0, %mul3A : i32
    %add3A = arith.addi %mul3A_0, %arg1 : i32
    %mul3A_1 = arith.constant 640 : i32
    %mul3A_2 = arith.muli %arg1, %mul3A_1 : i32
    %dma_start3A = arith.constant 0 : i32
    %dma_start3A_3 = tpu.memref_slice %arg11[%mul3A_2, %dma_start3A] : memref<10240x128xf32, #tpu.memory_space<vmem_shared>> -> memref<640x128xf32, #tpu.memory_space<vmem_shared>>
    tpu.enqueue_dma source(%arg5 : memref<640x128xf32, #tpu.memory_space<hbm>>) target(%dma_start3A_3 : memref<640x128xf32, #tpu.memory_space<vmem_shared>>) target_semaphore(%arg13 : memref<!tpu.dma_semaphore, #tpu.memory_space<semaphore_mem>>)
    "tpu.region"() ({
      %run_scoped3A = tpu.sem_alloc : memref<!tpu.dma_semaphore, #tpu.memory_space<semaphore_mem>>
      %dma_start3A_32 = arith.constant 0 : i32
      %dma_start3A_33 = arith.constant 0 : i32
      %dma_start3A_34 = tpu.memref_slice %arg2[%add3A, %dma_start3A_32, %dma_start3A_33] : memref<32x90x112xi32, #tpu.memory_space<hbm>> -> memref<1x90x112xi32, #tpu.memory_space<hbm>>
      %dma_start3A_35 = tpu.memref_squeeze %dma_start3A_34 : memref<1x90x112xi32, #tpu.memory_space<hbm>> -> memref<90x112xi32, #tpu.memory_space<hbm>>
      %dma_start3A_36 = arith.constant 0 : i32
      %dma_start3A_37 = arith.constant 0 : i32
      %dma_start3A_38 = tpu.memref_slice %arg2[%add3A, %dma_start3A_36, %dma_start3A_37] : memref<32x90x112xi32, #tpu.memory_space<hbm>> -> memref<1x90x112xi32, #tpu.memory_space<hbm>>
      %dma_start3A_39 = tpu.memref_squeeze %dma_start3A_38 : memref<1x90x112xi32, #tpu.memory_space<hbm>> -> memref<90x112xi32, #tpu.memory_space<hbm>>
      tpu.enqueue_dma source(%dma_start3A_39 : memref<90x112xi32, #tpu.memory_space<hbm>>) target(%arg7 : memref<90x112xi32, #tpu.memory_space<vmem>>) target_semaphore(%run_scoped3A : memref<!tpu.dma_semaphore, #tpu.memory_space<semaphore_mem>>)
      %dma_wait3A_40 = arith.constant 0 : i32
      %dma_wait3A_41 = arith.constant 0 : i32
      %dma_wait3A_42 = tpu.memref_slice %arg2[%add3A, %dma_wait3A_40, %dma_wait3A_41] : memref<32x90x112xi32, #tpu.memory_space<hbm>> -> memref<1x90x112xi32, #tpu.memory_space<hbm>>
      %dma_wait3A_43 = tpu.memref_squeeze %dma_wait3A_42 : memref<1x90x112xi32, #tpu.memory_space<hbm>> -> memref<90x112xi32, #tpu.memory_space<hbm>>
      %dma_wait3A_44 = arith.constant 0 : i32
      %dma_wait3A_45 = arith.constant 0 : i32
      %dma_wait3A_46 = tpu.memref_slice %arg2[%add3A, %dma_wait3A_44, %dma_wait3A_45] : memref<32x90x112xi32, #tpu.memory_space<hbm>> -> memref<1x90x112xi32, #tpu.memory_space<hbm>>
      %dma_wait3A_47 = tpu.memref_squeeze %dma_wait3A_46 : memref<1x90x112xi32, #tpu.memory_space<hbm>> -> memref<90x112xi32, #tpu.memory_space<hbm>>
      tpu.wait_dma2 semaphore(%run_scoped3A : memref<!tpu.dma_semaphore, #tpu.memory_space<semaphore_mem>>) src(%dma_wait3A_47 : memref<90x112xi32, #tpu.memory_space<hbm>>) dst(%arg7 : memref<90x112xi32, #tpu.memory_space<vmem>>)
      tpu.yield
    }) : () -> ()
    "tpu.region"() ({
      %run_scoped3A = tpu.sem_alloc : memref<!tpu.dma_semaphore, #tpu.memory_space<semaphore_mem>>
      %dma_start3A_32 = arith.constant 0 : i32
      %dma_start3A_33 = arith.constant 0 : i32
      %dma_start3A_34 = tpu.memref_slice %arg3[%add3A, %dma_start3A_32, %dma_start3A_33] : memref<32x90x112xi32, #tpu.memory_space<hbm>> -> memref<1x90x112xi32, #tpu.memory_space<hbm>>
      %dma_start3A_35 = tpu.memref_squeeze %dma_start3A_34 : memref<1x90x112xi32, #tpu.memory_space<hbm>> -> memref<90x112xi32, #tpu.memory_space<hbm>>
      %dma_start3A_36 = arith.constant 0 : i32
      %dma_start3A_37 = arith.constant 0 : i32
      %dma_start3A_38 = tpu.memref_slice %arg3[%add3A, %dma_start3A_36, %dma_start3A_37] : memref<32x90x112xi32, #tpu.memory_space<hbm>> -> memref<1x90x112xi32, #tpu.memory_space<hbm>>
      %dma_start3A_39 = tpu.memref_squeeze %dma_start3A_38 : memref<1x90x112xi32, #tpu.memory_space<hbm>> -> memref<90x112xi32, #tpu.memory_space<hbm>>
      tpu.enqueue_dma source(%dma_start3A_39 : memref<90x112xi32, #tpu.memory_space<hbm>>) target(%arg8 : memref<90x112xi32, #tpu.memory_space<vmem>>) target_semaphore(%run_scoped3A : memref<!tpu.dma_semaphore, #tpu.memory_space<semaphore_mem>>)
      %dma_wait3A_40 = arith.constant 0 : i32
      %dma_wait3A_41 = arith.constant 0 : i32
      %dma_wait3A_42 = tpu.memref_slice %arg3[%add3A, %dma_wait3A_40, %dma_wait3A_41] : memref<32x90x112xi32, #tpu.memory_space<hbm>> -> memref<1x90x112xi32, #tpu.memory_space<hbm>>
      %dma_wait3A_43 = tpu.memref_squeeze %dma_wait3A_42 : memref<1x90x112xi32, #tpu.memory_space<hbm>> -> memref<90x112xi32, #tpu.memory_space<hbm>>
      %dma_wait3A_44 = arith.constant 0 : i32
      %dma_wait3A_45 = arith.constant 0 : i32
      %dma_wait3A_46 = tpu.memref_slice %arg3[%add3A, %dma_wait3A_44, %dma_wait3A_45] : memref<32x90x112xi32, #tpu.memory_space<hbm>> -> memref<1x90x112xi32, #tpu.memory_space<hbm>>
      %dma_wait3A_47 = tpu.memref_squeeze %dma_wait3A_46 : memref<1x90x112xi32, #tpu.memory_space<hbm>> -> memref<90x112xi32, #tpu.memory_space<hbm>>
      tpu.wait_dma2 semaphore(%run_scoped3A : memref<!tpu.dma_semaphore, #tpu.memory_space<semaphore_mem>>) src(%dma_wait3A_47 : memref<90x112xi32, #tpu.memory_space<hbm>>) dst(%arg8 : memref<90x112xi32, #tpu.memory_space<vmem>>)
      tpu.yield
    }) : () -> ()
    %dma_start3A_4 = arith.constant 0 : i32
    %dma_start3A_5 = arith.constant 0 : i32
    %dma_start3A_6 = tpu.memref_slice %arg7[%dma_start3A_4, %dma_start3A_5] : memref<90x112xi32, #tpu.memory_space<vmem>> -> memref<1x112xi32, #tpu.memory_space<vmem>>
    %dma_start3A_7 = tpu.memref_squeeze %dma_start3A_6 : memref<1x112xi32, #tpu.memory_space<vmem>> -> memref<112xi32, #tpu.memory_space<vmem>>
    %dma_start3A_8 = arith.constant 0 : i32
    %dma_start3A_9 = arith.constant 0 : i32
    %dma_start3A_10 = tpu.memref_slice %arg4[%dma_start3A_8, %dma_start3A_9] : memref<10240x128xf32, #tpu.memory_space<hbm>> -> memref<10240x128xf32, #tpu.memory_space<hbm>>
    tpu.enqueue_indirect_dma source(%dma_start3A_10 : memref<10240x128xf32, #tpu.memory_space<hbm>>) target(%arg9 : memref<112x128xf32, #tpu.memory_space<vmem>>) offsets(%dma_start3A_7 : memref<112xi32, #tpu.memory_space<vmem>>) semaphore(%arg12 : memref<!tpu.dma_semaphore, #tpu.memory_space<semaphore_mem>>)
    %dma_start3A_11 = arith.constant 1 : i32
    %dma_start3A_12 = arith.constant 0 : i32
    %dma_start3A_13 = tpu.memref_slice %arg7[%dma_start3A_11, %dma_start3A_12] : memref<90x112xi32, #tpu.memory_space<vmem>> -> memref<1x112xi32, #tpu.memory_space<vmem>>
    %dma_start3A_14 = tpu.memref_squeeze %dma_start3A_13 : memref<1x112xi32, #tpu.memory_space<vmem>> -> memref<112xi32, #tpu.memory_space<vmem>>
    %dma_start3A_15 = arith.constant 0 : i32
    %dma_start3A_16 = arith.constant 0 : i32
    %dma_start3A_17 = tpu.memref_slice %arg4[%dma_start3A_15, %dma_start3A_16] : memref<10240x128xf32, #tpu.memory_space<hbm>> -> memref<10240x128xf32, #tpu.memory_space<hbm>>
    tpu.enqueue_indirect_dma source(%dma_start3A_17 : memref<10240x128xf32, #tpu.memory_space<hbm>>) target(%arg10 : memref<112x128xf32, #tpu.memory_space<vmem>>) offsets(%dma_start3A_14 : memref<112xi32, #tpu.memory_space<vmem>>) semaphore(%arg12 : memref<!tpu.dma_semaphore, #tpu.memory_space<semaphore_mem>>)
    %mul3A_18 = arith.constant 640 : i32
    %mul3A_19 = arith.muli %arg1, %mul3A_18 : i32
    %dma_wait3A = arith.constant 0 : i32
    %dma_wait3A_20 = tpu.memref_slice %arg11[%mul3A_19, %dma_wait3A] : memref<10240x128xf32, #tpu.memory_space<vmem_shared>> -> memref<640x128xf32, #tpu.memory_space<vmem_shared>>
    tpu.wait_dma2 semaphore(%arg13 : memref<!tpu.dma_semaphore, #tpu.memory_space<semaphore_mem>>) src(%arg5 : memref<640x128xf32, #tpu.memory_space<hbm>>) dst(%dma_wait3A_20 : memref<640x128xf32, #tpu.memory_space<vmem_shared>>)
    %barrier3A = arith.constant 0 : index
    tpu.barrier barrier_id(%barrier3A)
    %scan3A = arith.constant 0 : i32
    %scan3A_21 = arith.constant 0 : i32
    %scan3A_22 = arith.constant 45 : i32
    %scan3A_23 = arith.addi %scan3A_21, %scan3A_22 : i32
    %scan3A_24 = arith.constant 1 : i32
    %scan3A_25 = scf.for %scan3A_32 = %scan3A_21 to %scan3A_23 step %scan3A_24 iter_args(%scan3A_33 = %scan3A) -> (i32)  : i32 {
      %mul3A_34 = arith.constant 2 : i32
      %mul3A_35 = arith.muli %mul3A_34, %scan3A_32 : i32
      %add3A_36 = arith.constant 0 : i32
      %add3A_37 = arith.addi %mul3A_35, %add3A_36 : i32
      %dma_wait3A_38 = arith.constant 0 : i32
      %dma_wait3A_39 = tpu.memref_slice %arg7[%add3A_37, %dma_wait3A_38] : memref<90x112xi32, #tpu.memory_space<vmem>> -> memref<1x112xi32, #tpu.memory_space<vmem>>
      %dma_wait3A_40 = tpu.memref_squeeze %dma_wait3A_39 : memref<1x112xi32, #tpu.memory_space<vmem>> -> memref<112xi32, #tpu.memory_space<vmem>>
      %dma_wait3A_41 = arith.constant 0 : i32
      %dma_wait3A_42 = arith.constant 0 : i32
      %dma_wait3A_43 = tpu.memref_slice %arg4[%dma_wait3A_41, %dma_wait3A_42] : memref<10240x128xf32, #tpu.memory_space<hbm>> -> memref<10240x128xf32, #tpu.memory_space<hbm>>
      tpu.wait_indirect_dma semaphore(%arg12 : memref<!tpu.dma_semaphore, #tpu.memory_space<semaphore_mem>>) src(%dma_wait3A_43 : memref<10240x128xf32, #tpu.memory_space<hbm>>) dst(%arg9 : memref<112x128xf32, #tpu.memory_space<vmem>>)
      "tpu.region"() ({
        %run_scoped3A = tpu.sem_alloc : memref<!tpu.dma_semaphore, #tpu.memory_space<semaphore_mem>>
        %dma_start3A_66 = arith.constant 0 : i32
        %dma_start3A_67 = tpu.memref_slice %arg8[%add3A_37, %dma_start3A_66] : memref<90x112xi32, #tpu.memory_space<vmem>> -> memref<1x112xi32, #tpu.memory_space<vmem>>
        %dma_start3A_68 = tpu.memref_squeeze %dma_start3A_67 : memref<1x112xi32, #tpu.memory_space<vmem>> -> memref<112xi32, #tpu.memory_space<vmem>>
        %dma_start3A_69 = arith.constant 0 : i32
        %dma_start3A_70 = arith.constant 0 : i32
        %dma_start3A_71 = tpu.memref_slice %arg11[%dma_start3A_69, %dma_start3A_70] : memref<10240x128xf32, #tpu.memory_space<vmem_shared>> -> memref<10240x128xf32, #tpu.memory_space<vmem_shared>>
        tpu.enqueue_indirect_dma source(%arg9 : memref<112x128xf32, #tpu.memory_space<vmem>>) target(%dma_start3A_71 : memref<10240x128xf32, #tpu.memory_space<vmem_shared>>) offsets(%dma_start3A_68 : memref<112xi32, #tpu.memory_space<vmem>>) semaphore(%run_scoped3A : memref<!tpu.dma_semaphore, #tpu.memory_space<semaphore_mem>>) {add = true}
        %dma_wait3A_72 = arith.constant 0 : i32
        %dma_wait3A_73 = tpu.memref_slice %arg8[%add3A_37, %dma_wait3A_72] : memref<90x112xi32, #tpu.memory_space<vmem>> -> memref<1x112xi32, #tpu.memory_space<vmem>>
        %dma_wait3A_74 = tpu.memref_squeeze %dma_wait3A_73 : memref<1x112xi32, #tpu.memory_space<vmem>> -> memref<112xi32, #tpu.memory_space<vmem>>
        %dma_wait3A_75 = arith.constant 0 : i32
        %dma_wait3A_76 = arith.constant 0 : i32
        %dma_wait3A_77 = tpu.memref_slice %arg11[%dma_wait3A_75, %dma_wait3A_76] : memref<10240x128xf32, #tpu.memory_space<vmem_shared>> -> memref<10240x128xf32, #tpu.memory_space<vmem_shared>>
        tpu.wait_indirect_dma semaphore(%run_scoped3A : memref<!tpu.dma_semaphore, #tpu.memory_space<semaphore_mem>>) src(%arg9 : memref<112x128xf32, #tpu.memory_space<vmem>>) dst(%dma_wait3A_77 : memref<10240x128xf32, #tpu.memory_space<vmem_shared>>)
        tpu.yield
      }) : () -> ()
      %add3A_44 = arith.constant 2 : i32
      %add3A_45 = arith.addi %add3A_37, %add3A_44 : i32
      %lt3A = arith.constant 90 : i32
      %lt3A_46 = arith.cmpi slt, %add3A_45, %lt3A : i32
      %convert_element_type3A = arith.extui %lt3A_46 : i1 to i32
      %cond3A = arith.constant 0 : i32
      %cond3A_47 = arith.cmpi ne, %convert_element_type3A, %cond3A : i32
      scf.if %cond3A_47 {
        %add3A_66 = arith.constant 2 : i32
        %add3A_67 = arith.addi %add3A_37, %add3A_66 : i32
        %dma_start3A_68 = arith.constant 0 : i32
        %dma_start3A_69 = tpu.memref_slice %arg7[%add3A_67, %dma_start3A_68] : memref<90x112xi32, #tpu.memory_space<vmem>> -> memref<1x112xi32, #tpu.memory_space<vmem>>
        %dma_start3A_70 = tpu.memref_squeeze %dma_start3A_69 : memref<1x112xi32, #tpu.memory_space<vmem>> -> memref<112xi32, #tpu.memory_space<vmem>>
        %dma_start3A_71 = arith.constant 0 : i32
        %dma_start3A_72 = arith.constant 0 : i32
        %dma_start3A_73 = tpu.memref_slice %arg4[%dma_start3A_71, %dma_start3A_72] : memref<10240x128xf32, #tpu.memory_space<hbm>> -> memref<10240x128xf32, #tpu.memory_space<hbm>>
        tpu.enqueue_indirect_dma source(%dma_start3A_73 : memref<10240x128xf32, #tpu.memory_space<hbm>>) target(%arg9 : memref<112x128xf32, #tpu.memory_space<vmem>>) offsets(%dma_start3A_70 : memref<112xi32, #tpu.memory_space<vmem>>) semaphore(%arg12 : memref<!tpu.dma_semaphore, #tpu.memory_space<semaphore_mem>>)
      } else {
      }
      %mul3A_48 = arith.constant 2 : i32
      %mul3A_49 = arith.muli %mul3A_48, %scan3A_32 : i32
      %add3A_50 = arith.constant 1 : i32
      %add3A_51 = arith.addi %mul3A_49, %add3A_50 : i32
      %dma_wait3A_52 = arith.constant 0 : i32
      %dma_wait3A_53 = tpu.memref_slice %arg7[%add3A_51, %dma_wait3A_52] : memref<90x112xi32, #tpu.memory_space<vmem>> -> memref<1x112xi32, #tpu.memory_space<vmem>>
      %dma_wait3A_54 = tpu.memref_squeeze %dma_wait3A_53 : memref<1x112xi32, #tpu.memory_space<vmem>> -> memref<112xi32, #tpu.memory_space<vmem>>
      %dma_wait3A_55 = arith.constant 0 : i32
      %dma_wait3A_56 = arith.constant 0 : i32
      %dma_wait3A_57 = tpu.memref_slice %arg4[%dma_wait3A_55, %dma_wait3A_56] : memref<10240x128xf32, #tpu.memory_space<hbm>> -> memref<10240x128xf32, #tpu.memory_space<hbm>>
      tpu.wait_indirect_dma semaphore(%arg12 : memref<!tpu.dma_semaphore, #tpu.memory_space<semaphore_mem>>) src(%dma_wait3A_57 : memref<10240x128xf32, #tpu.memory_space<hbm>>) dst(%arg10 : memref<112x128xf32, #tpu.memory_space<vmem>>)
      "tpu.region"() ({
        %run_scoped3A = tpu.sem_alloc : memref<!tpu.dma_semaphore, #tpu.memory_space<semaphore_mem>>
        %dma_start3A_66 = arith.constant 0 : i32
        %dma_start3A_67 = tpu.memref_slice %arg8[%add3A_51, %dma_start3A_66] : memref<90x112xi32, #tpu.memory_space<vmem>> -> memref<1x112xi32, #tpu.memory_space<vmem>>
        %dma_start3A_68 = tpu.memref_squeeze %dma_start3A_67 : memref<1x112xi32, #tpu.memory_space<vmem>> -> memref<112xi32, #tpu.memory_space<vmem>>
        %dma_start3A_69 = arith.constant 0 : i32
        %dma_start3A_70 = arith.constant 0 : i32
        %dma_start3A_71 = tpu.memref_slice %arg11[%dma_start3A_69, %dma_start3A_70] : memref<10240x128xf32, #tpu.memory_space<vmem_shared>> -> memref<10240x128xf32, #tpu.memory_space<vmem_shared>>
        tpu.enqueue_indirect_dma source(%arg10 : memref<112x128xf32, #tpu.memory_space<vmem>>) target(%dma_start3A_71 : memref<10240x128xf32, #tpu.memory_space<vmem_shared>>) offsets(%dma_start3A_68 : memref<112xi32, #tpu.memory_space<vmem>>) semaphore(%run_scoped3A : memref<!tpu.dma_semaphore, #tpu.memory_space<semaphore_mem>>) {add = true}
        %dma_wait3A_72 = arith.constant 0 : i32
        %dma_wait3A_73 = tpu.memref_slice %arg8[%add3A_51, %dma_wait3A_72] : memref<90x112xi32, #tpu.memory_space<vmem>> -> memref<1x112xi32, #tpu.memory_space<vmem>>
        %dma_wait3A_74 = tpu.memref_squeeze %dma_wait3A_73 : memref<1x112xi32, #tpu.memory_space<vmem>> -> memref<112xi32, #tpu.memory_space<vmem>>
        %dma_wait3A_75 = arith.constant 0 : i32
        %dma_wait3A_76 = arith.constant 0 : i32
        %dma_wait3A_77 = tpu.memref_slice %arg11[%dma_wait3A_75, %dma_wait3A_76] : memref<10240x128xf32, #tpu.memory_space<vmem_shared>> -> memref<10240x128xf32, #tpu.memory_space<vmem_shared>>
        tpu.wait_indirect_dma semaphore(%run_scoped3A : memref<!tpu.dma_semaphore, #tpu.memory_space<semaphore_mem>>) src(%arg10 : memref<112x128xf32, #tpu.memory_space<vmem>>) dst(%dma_wait3A_77 : memref<10240x128xf32, #tpu.memory_space<vmem_shared>>)
        tpu.yield
      }) : () -> ()
      %add3A_58 = arith.constant 2 : i32
      %add3A_59 = arith.addi %add3A_51, %add3A_58 : i32
      %lt3A_60 = arith.constant 90 : i32
      %lt3A_61 = arith.cmpi slt, %add3A_59, %lt3A_60 : i32
      %convert_element_type3A_62 = arith.extui %lt3A_61 : i1 to i32
      %cond3A_63 = arith.constant 0 : i32
      %cond3A_64 = arith.cmpi ne, %convert_element_type3A_62, %cond3A_63 : i32
      scf.if %cond3A_64 {
        %add3A_66 = arith.constant 2 : i32
        %add3A_67 = arith.addi %add3A_51, %add3A_66 : i32
        %dma_start3A_68 = arith.constant 0 : i32
        %dma_start3A_69 = tpu.memref_slice %arg7[%add3A_67, %dma_start3A_68] : memref<90x112xi32, #tpu.memory_space<vmem>> -> memref<1x112xi32, #tpu.memory_space<vmem>>
        %dma_start3A_70 = tpu.memref_squeeze %dma_start3A_69 : memref<1x112xi32, #tpu.memory_space<vmem>> -> memref<112xi32, #tpu.memory_space<vmem>>
        %dma_start3A_71 = arith.constant 0 : i32
        %dma_start3A_72 = arith.constant 0 : i32
        %dma_start3A_73 = tpu.memref_slice %arg4[%dma_start3A_71, %dma_start3A_72] : memref<10240x128xf32, #tpu.memory_space<hbm>> -> memref<10240x128xf32, #tpu.memory_space<hbm>>
        tpu.enqueue_indirect_dma source(%dma_start3A_73 : memref<10240x128xf32, #tpu.memory_space<hbm>>) target(%arg10 : memref<112x128xf32, #tpu.memory_space<vmem>>) offsets(%dma_start3A_70 : memref<112xi32, #tpu.memory_space<vmem>>) semaphore(%arg12 : memref<!tpu.dma_semaphore, #tpu.memory_space<semaphore_mem>>)
      } else {
      }
      %scan3A_65 = arith.constant 0 : i32
      scf.yield %scan3A_65 : i32
    }
    %scan3A_26 = arith.constant 45 : i32
    %barrier3A_27 = arith.constant 0 : index
    tpu.barrier barrier_id(%barrier3A_27)
    %mul3A_28 = arith.constant 640 : i32
    %mul3A_29 = arith.muli %arg1, %mul3A_28 : i32
    %mul3A_30 = arith.constant 640 : i32
    %mul3A_31 = arith.muli %arg1, %mul3A_30 : i32
    "tpu.region"() ({
      %run_scoped3A = tpu.sem_alloc : memref<!tpu.dma_semaphore, #tpu.memory_space<semaphore_mem>>
      %dma_start3A_32 = arith.constant 0 : i32
      %dma_start3A_33 = tpu.memref_slice %arg6[%arg0, %mul3A_31, %dma_start3A_32] : memref<2x10240x128xf32, #tpu.memory_space<hbm>> -> memref<1x640x128xf32, #tpu.memory_space<hbm>>
      %dma_start3A_34 = tpu.memref_squeeze %dma_start3A_33 : memref<1x640x128xf32, #tpu.memory_space<hbm>> -> memref<640x128xf32, #tpu.memory_space<hbm>>
      %dma_start3A_35 = arith.constant 0 : i32
      %dma_start3A_36 = tpu.memref_slice %arg11[%mul3A_29, %dma_start3A_35] : memref<10240x128xf32, #tpu.memory_space<vmem_shared>> -> memref<640x128xf32, #tpu.memory_space<vmem_shared>>
      tpu.enqueue_dma source(%dma_start3A_36 : memref<640x128xf32, #tpu.memory_space<vmem_shared>>) target(%dma_start3A_34 : memref<640x128xf32, #tpu.memory_space<hbm>>) target_semaphore(%run_scoped3A : memref<!tpu.dma_semaphore, #tpu.memory_space<semaphore_mem>>)
      %dma_wait3A_37 = arith.constant 0 : i32
      %dma_wait3A_38 = tpu.memref_slice %arg6[%arg0, %mul3A_31, %dma_wait3A_37] : memref<2x10240x128xf32, #tpu.memory_space<hbm>> -> memref<1x640x128xf32, #tpu.memory_space<hbm>>
      %dma_wait3A_39 = tpu.memref_squeeze %dma_wait3A_38 : memref<1x640x128xf32, #tpu.memory_space<hbm>> -> memref<640x128xf32, #tpu.memory_space<hbm>>
      %dma_wait3A_40 = arith.constant 0 : i32
      %dma_wait3A_41 = tpu.memref_slice %arg11[%mul3A_29, %dma_wait3A_40] : memref<10240x128xf32, #tpu.memory_space<vmem_shared>> -> memref<640x128xf32, #tpu.memory_space<vmem_shared>>
      tpu.wait_dma2 semaphore(%run_scoped3A : memref<!tpu.dma_semaphore, #tpu.memory_space<semaphore_mem>>) src(%dma_wait3A_41 : memref<640x128xf32, #tpu.memory_space<vmem_shared>>) dst(%dma_wait3A_39 : memref<640x128xf32, #tpu.memory_space<hbm>>)
      tpu.yield
    }) : () -> ()
    return
  }
}

#map = affine_map<(d0, d1) -> (0, 0, 0)>
#map1 = affine_map<(d0, d1) -> (0, 0)>
module attributes {stable_mosaic.version = 14 : i64} {
  func.func @body(%arg0: i32, %arg1: i32, %arg2: memref<32x79x128xi32, #tpu.memory_space<hbm>>, %arg3: memref<32x79x128xi32, #tpu.memory_space<hbm>>, %arg4: memref<10240x64xf32, #tpu.memory_space<hbm>>, %arg5: memref<640x64xf32, #tpu.memory_space<hbm>>, %arg6: memref<2x10240x64xf32, #tpu.memory_space<hbm>>, %arg7: memref<79x128xi32, #tpu.memory_space<vmem>>, %arg8: memref<79x128xi32, #tpu.memory_space<vmem>>, %arg9: memref<128x64xf32, #tpu.memory_space<vmem>>, %arg10: memref<128x64xf32, #tpu.memory_space<vmem>>, %arg11: memref<128x64xf32, #tpu.memory_space<vmem>>, %arg12: memref<128x64xf32, #tpu.memory_space<vmem>>, %arg13: memref<10240x64xf32, #tpu.memory_space<vmem_shared>>, %arg14: memref<!tpu.dma_semaphore, #tpu.memory_space<semaphore_mem>>, %arg15: memref<!tpu.dma_semaphore, #tpu.memory_space<semaphore_mem>>) attributes {dimension_semantics = [#tpu.dimension_semantics<core_parallel>, #tpu.dimension_semantics<subcore_parallel>], iteration_bounds = array<i64: 2, 16>, scalar_prefetch = 0 : i64, scratch_operands = 9 : i64, tpu.core_type = #tpu.core_type<sc_vector_subcore>, window_params = [{transform_indices = #map}, {transform_indices = #map}, {transform_indices = #map1}, {transform_indices = #map1}, {transform_indices = #map}]} {
    %mul3A = arith.constant 16 : i32
    %mul3A_0 = arith.muli %arg0, %mul3A : i32
    %add3A = arith.addi %mul3A_0, %arg1 : i32
    %mul3A_1 = arith.constant 640 : i32
    %mul3A_2 = arith.muli %arg1, %mul3A_1 : i32
    %dma_start3A = arith.constant 0 : i32
    %dma_start3A_3 = tpu.memref_slice %arg13[%mul3A_2, %dma_start3A] : memref<10240x64xf32, #tpu.memory_space<vmem_shared>> -> memref<640x64xf32, #tpu.memory_space<vmem_shared>>
    tpu.enqueue_dma source(%arg5 : memref<640x64xf32, #tpu.memory_space<hbm>>) target(%dma_start3A_3 : memref<640x64xf32, #tpu.memory_space<vmem_shared>>) target_semaphore(%arg15 : memref<!tpu.dma_semaphore, #tpu.memory_space<semaphore_mem>>)
    "tpu.region"() ({
      %run_scoped3A_69 = tpu.sem_alloc : memref<!tpu.dma_semaphore, #tpu.memory_space<semaphore_mem>>
      %dma_start3A_70 = arith.constant 0 : i32
      %dma_start3A_71 = arith.constant 0 : i32
      %dma_start3A_72 = tpu.memref_slice %arg2[%add3A, %dma_start3A_70, %dma_start3A_71] : memref<32x79x128xi32, #tpu.memory_space<hbm>> -> memref<1x79x128xi32, #tpu.memory_space<hbm>>
      %dma_start3A_73 = tpu.memref_squeeze %dma_start3A_72 : memref<1x79x128xi32, #tpu.memory_space<hbm>> -> memref<79x128xi32, #tpu.memory_space<hbm>>
      %dma_start3A_74 = arith.constant 0 : i32
      %dma_start3A_75 = arith.constant 0 : i32
      %dma_start3A_76 = tpu.memref_slice %arg2[%add3A, %dma_start3A_74, %dma_start3A_75] : memref<32x79x128xi32, #tpu.memory_space<hbm>> -> memref<1x79x128xi32, #tpu.memory_space<hbm>>
      %dma_start3A_77 = tpu.memref_squeeze %dma_start3A_76 : memref<1x79x128xi32, #tpu.memory_space<hbm>> -> memref<79x128xi32, #tpu.memory_space<hbm>>
      tpu.enqueue_dma source(%dma_start3A_77 : memref<79x128xi32, #tpu.memory_space<hbm>>) target(%arg7 : memref<79x128xi32, #tpu.memory_space<vmem>>) target_semaphore(%run_scoped3A_69 : memref<!tpu.dma_semaphore, #tpu.memory_space<semaphore_mem>>)
      %dma_wait3A_78 = arith.constant 0 : i32
      %dma_wait3A_79 = arith.constant 0 : i32
      %dma_wait3A_80 = tpu.memref_slice %arg2[%add3A, %dma_wait3A_78, %dma_wait3A_79] : memref<32x79x128xi32, #tpu.memory_space<hbm>> -> memref<1x79x128xi32, #tpu.memory_space<hbm>>
      %dma_wait3A_81 = tpu.memref_squeeze %dma_wait3A_80 : memref<1x79x128xi32, #tpu.memory_space<hbm>> -> memref<79x128xi32, #tpu.memory_space<hbm>>
      %dma_wait3A_82 = arith.constant 0 : i32
      %dma_wait3A_83 = arith.constant 0 : i32
      %dma_wait3A_84 = tpu.memref_slice %arg2[%add3A, %dma_wait3A_82, %dma_wait3A_83] : memref<32x79x128xi32, #tpu.memory_space<hbm>> -> memref<1x79x128xi32, #tpu.memory_space<hbm>>
      %dma_wait3A_85 = tpu.memref_squeeze %dma_wait3A_84 : memref<1x79x128xi32, #tpu.memory_space<hbm>> -> memref<79x128xi32, #tpu.memory_space<hbm>>
      tpu.wait_dma2 semaphore(%run_scoped3A_69 : memref<!tpu.dma_semaphore, #tpu.memory_space<semaphore_mem>>) src(%dma_wait3A_85 : memref<79x128xi32, #tpu.memory_space<hbm>>) dst(%arg7 : memref<79x128xi32, #tpu.memory_space<vmem>>)
      tpu.yield
    }) : () -> ()
    "tpu.region"() ({
      %run_scoped3A_69 = tpu.sem_alloc : memref<!tpu.dma_semaphore, #tpu.memory_space<semaphore_mem>>
      %dma_start3A_70 = arith.constant 0 : i32
      %dma_start3A_71 = arith.constant 0 : i32
      %dma_start3A_72 = tpu.memref_slice %arg3[%add3A, %dma_start3A_70, %dma_start3A_71] : memref<32x79x128xi32, #tpu.memory_space<hbm>> -> memref<1x79x128xi32, #tpu.memory_space<hbm>>
      %dma_start3A_73 = tpu.memref_squeeze %dma_start3A_72 : memref<1x79x128xi32, #tpu.memory_space<hbm>> -> memref<79x128xi32, #tpu.memory_space<hbm>>
      %dma_start3A_74 = arith.constant 0 : i32
      %dma_start3A_75 = arith.constant 0 : i32
      %dma_start3A_76 = tpu.memref_slice %arg3[%add3A, %dma_start3A_74, %dma_start3A_75] : memref<32x79x128xi32, #tpu.memory_space<hbm>> -> memref<1x79x128xi32, #tpu.memory_space<hbm>>
      %dma_start3A_77 = tpu.memref_squeeze %dma_start3A_76 : memref<1x79x128xi32, #tpu.memory_space<hbm>> -> memref<79x128xi32, #tpu.memory_space<hbm>>
      tpu.enqueue_dma source(%dma_start3A_77 : memref<79x128xi32, #tpu.memory_space<hbm>>) target(%arg8 : memref<79x128xi32, #tpu.memory_space<vmem>>) target_semaphore(%run_scoped3A_69 : memref<!tpu.dma_semaphore, #tpu.memory_space<semaphore_mem>>)
      %dma_wait3A_78 = arith.constant 0 : i32
      %dma_wait3A_79 = arith.constant 0 : i32
      %dma_wait3A_80 = tpu.memref_slice %arg3[%add3A, %dma_wait3A_78, %dma_wait3A_79] : memref<32x79x128xi32, #tpu.memory_space<hbm>> -> memref<1x79x128xi32, #tpu.memory_space<hbm>>
      %dma_wait3A_81 = tpu.memref_squeeze %dma_wait3A_80 : memref<1x79x128xi32, #tpu.memory_space<hbm>> -> memref<79x128xi32, #tpu.memory_space<hbm>>
      %dma_wait3A_82 = arith.constant 0 : i32
      %dma_wait3A_83 = arith.constant 0 : i32
      %dma_wait3A_84 = tpu.memref_slice %arg3[%add3A, %dma_wait3A_82, %dma_wait3A_83] : memref<32x79x128xi32, #tpu.memory_space<hbm>> -> memref<1x79x128xi32, #tpu.memory_space<hbm>>
      %dma_wait3A_85 = tpu.memref_squeeze %dma_wait3A_84 : memref<1x79x128xi32, #tpu.memory_space<hbm>> -> memref<79x128xi32, #tpu.memory_space<hbm>>
      tpu.wait_dma2 semaphore(%run_scoped3A_69 : memref<!tpu.dma_semaphore, #tpu.memory_space<semaphore_mem>>) src(%dma_wait3A_85 : memref<79x128xi32, #tpu.memory_space<hbm>>) dst(%arg8 : memref<79x128xi32, #tpu.memory_space<vmem>>)
      tpu.yield
    }) : () -> ()
    %dma_start3A_4 = arith.constant 0 : i32
    %dma_start3A_5 = arith.constant 0 : i32
    %dma_start3A_6 = tpu.memref_slice %arg7[%dma_start3A_4, %dma_start3A_5] : memref<79x128xi32, #tpu.memory_space<vmem>> -> memref<1x128xi32, #tpu.memory_space<vmem>>
    %dma_start3A_7 = tpu.memref_squeeze %dma_start3A_6 : memref<1x128xi32, #tpu.memory_space<vmem>> -> memref<128xi32, #tpu.memory_space<vmem>>
    %dma_start3A_8 = arith.constant 0 : i32
    %dma_start3A_9 = arith.constant 0 : i32
    %dma_start3A_10 = tpu.memref_slice %arg4[%dma_start3A_8, %dma_start3A_9] : memref<10240x64xf32, #tpu.memory_space<hbm>> -> memref<10240x64xf32, #tpu.memory_space<hbm>>
    tpu.enqueue_indirect_dma source(%dma_start3A_10 : memref<10240x64xf32, #tpu.memory_space<hbm>>) target(%arg9 : memref<128x64xf32, #tpu.memory_space<vmem>>) offsets(%dma_start3A_7 : memref<128xi32, #tpu.memory_space<vmem>>) semaphore(%arg14 : memref<!tpu.dma_semaphore, #tpu.memory_space<semaphore_mem>>)
    %dma_start3A_11 = arith.constant 1 : i32
    %dma_start3A_12 = arith.constant 0 : i32
    %dma_start3A_13 = tpu.memref_slice %arg7[%dma_start3A_11, %dma_start3A_12] : memref<79x128xi32, #tpu.memory_space<vmem>> -> memref<1x128xi32, #tpu.memory_space<vmem>>
    %dma_start3A_14 = tpu.memref_squeeze %dma_start3A_13 : memref<1x128xi32, #tpu.memory_space<vmem>> -> memref<128xi32, #tpu.memory_space<vmem>>
    %dma_start3A_15 = arith.constant 0 : i32
    %dma_start3A_16 = arith.constant 0 : i32
    %dma_start3A_17 = tpu.memref_slice %arg4[%dma_start3A_15, %dma_start3A_16] : memref<10240x64xf32, #tpu.memory_space<hbm>> -> memref<10240x64xf32, #tpu.memory_space<hbm>>
    tpu.enqueue_indirect_dma source(%dma_start3A_17 : memref<10240x64xf32, #tpu.memory_space<hbm>>) target(%arg10 : memref<128x64xf32, #tpu.memory_space<vmem>>) offsets(%dma_start3A_14 : memref<128xi32, #tpu.memory_space<vmem>>) semaphore(%arg14 : memref<!tpu.dma_semaphore, #tpu.memory_space<semaphore_mem>>)
    %dma_start3A_18 = arith.constant 2 : i32
    %dma_start3A_19 = arith.constant 0 : i32
    %dma_start3A_20 = tpu.memref_slice %arg7[%dma_start3A_18, %dma_start3A_19] : memref<79x128xi32, #tpu.memory_space<vmem>> -> memref<1x128xi32, #tpu.memory_space<vmem>>
    %dma_start3A_21 = tpu.memref_squeeze %dma_start3A_20 : memref<1x128xi32, #tpu.memory_space<vmem>> -> memref<128xi32, #tpu.memory_space<vmem>>
    %dma_start3A_22 = arith.constant 0 : i32
    %dma_start3A_23 = arith.constant 0 : i32
    %dma_start3A_24 = tpu.memref_slice %arg4[%dma_start3A_22, %dma_start3A_23] : memref<10240x64xf32, #tpu.memory_space<hbm>> -> memref<10240x64xf32, #tpu.memory_space<hbm>>
    tpu.enqueue_indirect_dma source(%dma_start3A_24 : memref<10240x64xf32, #tpu.memory_space<hbm>>) target(%arg11 : memref<128x64xf32, #tpu.memory_space<vmem>>) offsets(%dma_start3A_21 : memref<128xi32, #tpu.memory_space<vmem>>) semaphore(%arg14 : memref<!tpu.dma_semaphore, #tpu.memory_space<semaphore_mem>>)
    %dma_start3A_25 = arith.constant 3 : i32
    %dma_start3A_26 = arith.constant 0 : i32
    %dma_start3A_27 = tpu.memref_slice %arg7[%dma_start3A_25, %dma_start3A_26] : memref<79x128xi32, #tpu.memory_space<vmem>> -> memref<1x128xi32, #tpu.memory_space<vmem>>
    %dma_start3A_28 = tpu.memref_squeeze %dma_start3A_27 : memref<1x128xi32, #tpu.memory_space<vmem>> -> memref<128xi32, #tpu.memory_space<vmem>>
    %dma_start3A_29 = arith.constant 0 : i32
    %dma_start3A_30 = arith.constant 0 : i32
    %dma_start3A_31 = tpu.memref_slice %arg4[%dma_start3A_29, %dma_start3A_30] : memref<10240x64xf32, #tpu.memory_space<hbm>> -> memref<10240x64xf32, #tpu.memory_space<hbm>>
    tpu.enqueue_indirect_dma source(%dma_start3A_31 : memref<10240x64xf32, #tpu.memory_space<hbm>>) target(%arg12 : memref<128x64xf32, #tpu.memory_space<vmem>>) offsets(%dma_start3A_28 : memref<128xi32, #tpu.memory_space<vmem>>) semaphore(%arg14 : memref<!tpu.dma_semaphore, #tpu.memory_space<semaphore_mem>>)
    %mul3A_32 = arith.constant 640 : i32
    %mul3A_33 = arith.muli %arg1, %mul3A_32 : i32
    %dma_wait3A = arith.constant 0 : i32
    %dma_wait3A_34 = tpu.memref_slice %arg13[%mul3A_33, %dma_wait3A] : memref<10240x64xf32, #tpu.memory_space<vmem_shared>> -> memref<640x64xf32, #tpu.memory_space<vmem_shared>>
    tpu.wait_dma2 semaphore(%arg15 : memref<!tpu.dma_semaphore, #tpu.memory_space<semaphore_mem>>) src(%arg5 : memref<640x64xf32, #tpu.memory_space<hbm>>) dst(%dma_wait3A_34 : memref<640x64xf32, #tpu.memory_space<vmem_shared>>)
    %barrier3A = arith.constant 0 : index
    tpu.barrier barrier_id(%barrier3A)
    %scan3A = arith.constant 0 : i32
    %scan3A_35 = arith.constant 0 : i32
    %scan3A_36 = arith.constant 19 : i32
    %scan3A_37 = arith.addi %scan3A_35, %scan3A_36 : i32
    %scan3A_38 = arith.constant 1 : i32
    %scan3A_39 = scf.for %scan3A_69 = %scan3A_35 to %scan3A_37 step %scan3A_38 iter_args(%scan3A_70 = %scan3A) -> (i32)  : i32 {
      %mul3A_71 = arith.constant 4 : i32
      %mul3A_72 = arith.muli %mul3A_71, %scan3A_69 : i32
      %add3A_73 = arith.constant 0 : i32
      %add3A_74 = arith.addi %mul3A_72, %add3A_73 : i32
      %dma_wait3A_75 = arith.constant 0 : i32
      %dma_wait3A_76 = tpu.memref_slice %arg7[%add3A_74, %dma_wait3A_75] : memref<79x128xi32, #tpu.memory_space<vmem>> -> memref<1x128xi32, #tpu.memory_space<vmem>>
      %dma_wait3A_77 = tpu.memref_squeeze %dma_wait3A_76 : memref<1x128xi32, #tpu.memory_space<vmem>> -> memref<128xi32, #tpu.memory_space<vmem>>
      %dma_wait3A_78 = arith.constant 0 : i32
      %dma_wait3A_79 = arith.constant 0 : i32
      %dma_wait3A_80 = tpu.memref_slice %arg4[%dma_wait3A_78, %dma_wait3A_79] : memref<10240x64xf32, #tpu.memory_space<hbm>> -> memref<10240x64xf32, #tpu.memory_space<hbm>>
      tpu.wait_indirect_dma semaphore(%arg14 : memref<!tpu.dma_semaphore, #tpu.memory_space<semaphore_mem>>) src(%dma_wait3A_80 : memref<10240x64xf32, #tpu.memory_space<hbm>>) dst(%arg9 : memref<128x64xf32, #tpu.memory_space<vmem>>)
      "tpu.region"() ({
        %run_scoped3A_137 = tpu.sem_alloc : memref<!tpu.dma_semaphore, #tpu.memory_space<semaphore_mem>>
        %dma_start3A_138 = arith.constant 0 : i32
        %dma_start3A_139 = tpu.memref_slice %arg8[%add3A_74, %dma_start3A_138] : memref<79x128xi32, #tpu.memory_space<vmem>> -> memref<1x128xi32, #tpu.memory_space<vmem>>
        %dma_start3A_140 = tpu.memref_squeeze %dma_start3A_139 : memref<1x128xi32, #tpu.memory_space<vmem>> -> memref<128xi32, #tpu.memory_space<vmem>>
        %dma_start3A_141 = arith.constant 0 : i32
        %dma_start3A_142 = arith.constant 0 : i32
        %dma_start3A_143 = tpu.memref_slice %arg13[%dma_start3A_141, %dma_start3A_142] : memref<10240x64xf32, #tpu.memory_space<vmem_shared>> -> memref<10240x64xf32, #tpu.memory_space<vmem_shared>>
        tpu.enqueue_indirect_dma source(%arg9 : memref<128x64xf32, #tpu.memory_space<vmem>>) target(%dma_start3A_143 : memref<10240x64xf32, #tpu.memory_space<vmem_shared>>) offsets(%dma_start3A_140 : memref<128xi32, #tpu.memory_space<vmem>>) semaphore(%run_scoped3A_137 : memref<!tpu.dma_semaphore, #tpu.memory_space<semaphore_mem>>) {add = true}
        %dma_wait3A_144 = arith.constant 0 : i32
        %dma_wait3A_145 = tpu.memref_slice %arg8[%add3A_74, %dma_wait3A_144] : memref<79x128xi32, #tpu.memory_space<vmem>> -> memref<1x128xi32, #tpu.memory_space<vmem>>
        %dma_wait3A_146 = tpu.memref_squeeze %dma_wait3A_145 : memref<1x128xi32, #tpu.memory_space<vmem>> -> memref<128xi32, #tpu.memory_space<vmem>>
        %dma_wait3A_147 = arith.constant 0 : i32
        %dma_wait3A_148 = arith.constant 0 : i32
        %dma_wait3A_149 = tpu.memref_slice %arg13[%dma_wait3A_147, %dma_wait3A_148] : memref<10240x64xf32, #tpu.memory_space<vmem_shared>> -> memref<10240x64xf32, #tpu.memory_space<vmem_shared>>
        tpu.wait_indirect_dma semaphore(%run_scoped3A_137 : memref<!tpu.dma_semaphore, #tpu.memory_space<semaphore_mem>>) src(%arg9 : memref<128x64xf32, #tpu.memory_space<vmem>>) dst(%dma_wait3A_149 : memref<10240x64xf32, #tpu.memory_space<vmem_shared>>)
        tpu.yield
      }) : () -> ()
      %add3A_81 = arith.constant 4 : i32
      %add3A_82 = arith.addi %add3A_74, %add3A_81 : i32
      %lt3A = arith.constant 79 : i32
      %lt3A_83 = arith.cmpi slt, %add3A_82, %lt3A : i32
      %convert_element_type3A = arith.extui %lt3A_83 : i1 to i32
      %cond3A = arith.constant 0 : i32
      %cond3A_84 = arith.cmpi ne, %convert_element_type3A, %cond3A : i32
      scf.if %cond3A_84 {
        %add3A_137 = arith.constant 4 : i32
        %add3A_138 = arith.addi %add3A_74, %add3A_137 : i32
        %dma_start3A_139 = arith.constant 0 : i32
        %dma_start3A_140 = tpu.memref_slice %arg7[%add3A_138, %dma_start3A_139] : memref<79x128xi32, #tpu.memory_space<vmem>> -> memref<1x128xi32, #tpu.memory_space<vmem>>
        %dma_start3A_141 = tpu.memref_squeeze %dma_start3A_140 : memref<1x128xi32, #tpu.memory_space<vmem>> -> memref<128xi32, #tpu.memory_space<vmem>>
        %dma_start3A_142 = arith.constant 0 : i32
        %dma_start3A_143 = arith.constant 0 : i32
        %dma_start3A_144 = tpu.memref_slice %arg4[%dma_start3A_142, %dma_start3A_143] : memref<10240x64xf32, #tpu.memory_space<hbm>> -> memref<10240x64xf32, #tpu.memory_space<hbm>>
        tpu.enqueue_indirect_dma source(%dma_start3A_144 : memref<10240x64xf32, #tpu.memory_space<hbm>>) target(%arg9 : memref<128x64xf32, #tpu.memory_space<vmem>>) offsets(%dma_start3A_141 : memref<128xi32, #tpu.memory_space<vmem>>) semaphore(%arg14 : memref<!tpu.dma_semaphore, #tpu.memory_space<semaphore_mem>>)
      } else {
      }
      %mul3A_85 = arith.constant 4 : i32
      %mul3A_86 = arith.muli %mul3A_85, %scan3A_69 : i32
      %add3A_87 = arith.constant 1 : i32
      %add3A_88 = arith.addi %mul3A_86, %add3A_87 : i32
      %dma_wait3A_89 = arith.constant 0 : i32
      %dma_wait3A_90 = tpu.memref_slice %arg7[%add3A_88, %dma_wait3A_89] : memref<79x128xi32, #tpu.memory_space<vmem>> -> memref<1x128xi32, #tpu.memory_space<vmem>>
      %dma_wait3A_91 = tpu.memref_squeeze %dma_wait3A_90 : memref<1x128xi32, #tpu.memory_space<vmem>> -> memref<128xi32, #tpu.memory_space<vmem>>
      %dma_wait3A_92 = arith.constant 0 : i32
      %dma_wait3A_93 = arith.constant 0 : i32
      %dma_wait3A_94 = tpu.memref_slice %arg4[%dma_wait3A_92, %dma_wait3A_93] : memref<10240x64xf32, #tpu.memory_space<hbm>> -> memref<10240x64xf32, #tpu.memory_space<hbm>>
      tpu.wait_indirect_dma semaphore(%arg14 : memref<!tpu.dma_semaphore, #tpu.memory_space<semaphore_mem>>) src(%dma_wait3A_94 : memref<10240x64xf32, #tpu.memory_space<hbm>>) dst(%arg10 : memref<128x64xf32, #tpu.memory_space<vmem>>)
      "tpu.region"() ({
        %run_scoped3A_137 = tpu.sem_alloc : memref<!tpu.dma_semaphore, #tpu.memory_space<semaphore_mem>>
        %dma_start3A_138 = arith.constant 0 : i32
        %dma_start3A_139 = tpu.memref_slice %arg8[%add3A_88, %dma_start3A_138] : memref<79x128xi32, #tpu.memory_space<vmem>> -> memref<1x128xi32, #tpu.memory_space<vmem>>
        %dma_start3A_140 = tpu.memref_squeeze %dma_start3A_139 : memref<1x128xi32, #tpu.memory_space<vmem>> -> memref<128xi32, #tpu.memory_space<vmem>>
        %dma_start3A_141 = arith.constant 0 : i32
        %dma_start3A_142 = arith.constant 0 : i32
        %dma_start3A_143 = tpu.memref_slice %arg13[%dma_start3A_141, %dma_start3A_142] : memref<10240x64xf32, #tpu.memory_space<vmem_shared>> -> memref<10240x64xf32, #tpu.memory_space<vmem_shared>>
        tpu.enqueue_indirect_dma source(%arg10 : memref<128x64xf32, #tpu.memory_space<vmem>>) target(%dma_start3A_143 : memref<10240x64xf32, #tpu.memory_space<vmem_shared>>) offsets(%dma_start3A_140 : memref<128xi32, #tpu.memory_space<vmem>>) semaphore(%run_scoped3A_137 : memref<!tpu.dma_semaphore, #tpu.memory_space<semaphore_mem>>) {add = true}
        %dma_wait3A_144 = arith.constant 0 : i32
        %dma_wait3A_145 = tpu.memref_slice %arg8[%add3A_88, %dma_wait3A_144] : memref<79x128xi32, #tpu.memory_space<vmem>> -> memref<1x128xi32, #tpu.memory_space<vmem>>
        %dma_wait3A_146 = tpu.memref_squeeze %dma_wait3A_145 : memref<1x128xi32, #tpu.memory_space<vmem>> -> memref<128xi32, #tpu.memory_space<vmem>>
        %dma_wait3A_147 = arith.constant 0 : i32
        %dma_wait3A_148 = arith.constant 0 : i32
        %dma_wait3A_149 = tpu.memref_slice %arg13[%dma_wait3A_147, %dma_wait3A_148] : memref<10240x64xf32, #tpu.memory_space<vmem_shared>> -> memref<10240x64xf32, #tpu.memory_space<vmem_shared>>
        tpu.wait_indirect_dma semaphore(%run_scoped3A_137 : memref<!tpu.dma_semaphore, #tpu.memory_space<semaphore_mem>>) src(%arg10 : memref<128x64xf32, #tpu.memory_space<vmem>>) dst(%dma_wait3A_149 : memref<10240x64xf32, #tpu.memory_space<vmem_shared>>)
        tpu.yield
      }) : () -> ()
      %add3A_95 = arith.constant 4 : i32
      %add3A_96 = arith.addi %add3A_88, %add3A_95 : i32
      %lt3A_97 = arith.constant 79 : i32
      %lt3A_98 = arith.cmpi slt, %add3A_96, %lt3A_97 : i32
      %convert_element_type3A_99 = arith.extui %lt3A_98 : i1 to i32
      %cond3A_100 = arith.constant 0 : i32
      %cond3A_101 = arith.cmpi ne, %convert_element_type3A_99, %cond3A_100 : i32
      scf.if %cond3A_101 {
        %add3A_137 = arith.constant 4 : i32
        %add3A_138 = arith.addi %add3A_88, %add3A_137 : i32
        %dma_start3A_139 = arith.constant 0 : i32
        %dma_start3A_140 = tpu.memref_slice %arg7[%add3A_138, %dma_start3A_139] : memref<79x128xi32, #tpu.memory_space<vmem>> -> memref<1x128xi32, #tpu.memory_space<vmem>>
        %dma_start3A_141 = tpu.memref_squeeze %dma_start3A_140 : memref<1x128xi32, #tpu.memory_space<vmem>> -> memref<128xi32, #tpu.memory_space<vmem>>
        %dma_start3A_142 = arith.constant 0 : i32
        %dma_start3A_143 = arith.constant 0 : i32
        %dma_start3A_144 = tpu.memref_slice %arg4[%dma_start3A_142, %dma_start3A_143] : memref<10240x64xf32, #tpu.memory_space<hbm>> -> memref<10240x64xf32, #tpu.memory_space<hbm>>
        tpu.enqueue_indirect_dma source(%dma_start3A_144 : memref<10240x64xf32, #tpu.memory_space<hbm>>) target(%arg10 : memref<128x64xf32, #tpu.memory_space<vmem>>) offsets(%dma_start3A_141 : memref<128xi32, #tpu.memory_space<vmem>>) semaphore(%arg14 : memref<!tpu.dma_semaphore, #tpu.memory_space<semaphore_mem>>)
      } else {
      }
      %mul3A_102 = arith.constant 4 : i32
      %mul3A_103 = arith.muli %mul3A_102, %scan3A_69 : i32
      %add3A_104 = arith.constant 2 : i32
      %add3A_105 = arith.addi %mul3A_103, %add3A_104 : i32
      %dma_wait3A_106 = arith.constant 0 : i32
      %dma_wait3A_107 = tpu.memref_slice %arg7[%add3A_105, %dma_wait3A_106] : memref<79x128xi32, #tpu.memory_space<vmem>> -> memref<1x128xi32, #tpu.memory_space<vmem>>
      %dma_wait3A_108 = tpu.memref_squeeze %dma_wait3A_107 : memref<1x128xi32, #tpu.memory_space<vmem>> -> memref<128xi32, #tpu.memory_space<vmem>>
      %dma_wait3A_109 = arith.constant 0 : i32
      %dma_wait3A_110 = arith.constant 0 : i32
      %dma_wait3A_111 = tpu.memref_slice %arg4[%dma_wait3A_109, %dma_wait3A_110] : memref<10240x64xf32, #tpu.memory_space<hbm>> -> memref<10240x64xf32, #tpu.memory_space<hbm>>
      tpu.wait_indirect_dma semaphore(%arg14 : memref<!tpu.dma_semaphore, #tpu.memory_space<semaphore_mem>>) src(%dma_wait3A_111 : memref<10240x64xf32, #tpu.memory_space<hbm>>) dst(%arg11 : memref<128x64xf32, #tpu.memory_space<vmem>>)
      "tpu.region"() ({
        %run_scoped3A_137 = tpu.sem_alloc : memref<!tpu.dma_semaphore, #tpu.memory_space<semaphore_mem>>
        %dma_start3A_138 = arith.constant 0 : i32
        %dma_start3A_139 = tpu.memref_slice %arg8[%add3A_105, %dma_start3A_138] : memref<79x128xi32, #tpu.memory_space<vmem>> -> memref<1x128xi32, #tpu.memory_space<vmem>>
        %dma_start3A_140 = tpu.memref_squeeze %dma_start3A_139 : memref<1x128xi32, #tpu.memory_space<vmem>> -> memref<128xi32, #tpu.memory_space<vmem>>
        %dma_start3A_141 = arith.constant 0 : i32
        %dma_start3A_142 = arith.constant 0 : i32
        %dma_start3A_143 = tpu.memref_slice %arg13[%dma_start3A_141, %dma_start3A_142] : memref<10240x64xf32, #tpu.memory_space<vmem_shared>> -> memref<10240x64xf32, #tpu.memory_space<vmem_shared>>
        tpu.enqueue_indirect_dma source(%arg11 : memref<128x64xf32, #tpu.memory_space<vmem>>) target(%dma_start3A_143 : memref<10240x64xf32, #tpu.memory_space<vmem_shared>>) offsets(%dma_start3A_140 : memref<128xi32, #tpu.memory_space<vmem>>) semaphore(%run_scoped3A_137 : memref<!tpu.dma_semaphore, #tpu.memory_space<semaphore_mem>>) {add = true}
        %dma_wait3A_144 = arith.constant 0 : i32
        %dma_wait3A_145 = tpu.memref_slice %arg8[%add3A_105, %dma_wait3A_144] : memref<79x128xi32, #tpu.memory_space<vmem>> -> memref<1x128xi32, #tpu.memory_space<vmem>>
        %dma_wait3A_146 = tpu.memref_squeeze %dma_wait3A_145 : memref<1x128xi32, #tpu.memory_space<vmem>> -> memref<128xi32, #tpu.memory_space<vmem>>
        %dma_wait3A_147 = arith.constant 0 : i32
        %dma_wait3A_148 = arith.constant 0 : i32
        %dma_wait3A_149 = tpu.memref_slice %arg13[%dma_wait3A_147, %dma_wait3A_148] : memref<10240x64xf32, #tpu.memory_space<vmem_shared>> -> memref<10240x64xf32, #tpu.memory_space<vmem_shared>>
        tpu.wait_indirect_dma semaphore(%run_scoped3A_137 : memref<!tpu.dma_semaphore, #tpu.memory_space<semaphore_mem>>) src(%arg11 : memref<128x64xf32, #tpu.memory_space<vmem>>) dst(%dma_wait3A_149 : memref<10240x64xf32, #tpu.memory_space<vmem_shared>>)
        tpu.yield
      }) : () -> ()
      %add3A_112 = arith.constant 4 : i32
      %add3A_113 = arith.addi %add3A_105, %add3A_112 : i32
      %lt3A_114 = arith.constant 79 : i32
      %lt3A_115 = arith.cmpi slt, %add3A_113, %lt3A_114 : i32
      %convert_element_type3A_116 = arith.extui %lt3A_115 : i1 to i32
      %cond3A_117 = arith.constant 0 : i32
      %cond3A_118 = arith.cmpi ne, %convert_element_type3A_116, %cond3A_117 : i32
      scf.if %cond3A_118 {
        %add3A_137 = arith.constant 4 : i32
        %add3A_138 = arith.addi %add3A_105, %add3A_137 : i32
        %dma_start3A_139 = arith.constant 0 : i32
        %dma_start3A_140 = tpu.memref_slice %arg7[%add3A_138, %dma_start3A_139] : memref<79x128xi32, #tpu.memory_space<vmem>> -> memref<1x128xi32, #tpu.memory_space<vmem>>
        %dma_start3A_141 = tpu.memref_squeeze %dma_start3A_140 : memref<1x128xi32, #tpu.memory_space<vmem>> -> memref<128xi32, #tpu.memory_space<vmem>>
        %dma_start3A_142 = arith.constant 0 : i32
        %dma_start3A_143 = arith.constant 0 : i32
        %dma_start3A_144 = tpu.memref_slice %arg4[%dma_start3A_142, %dma_start3A_143] : memref<10240x64xf32, #tpu.memory_space<hbm>> -> memref<10240x64xf32, #tpu.memory_space<hbm>>
        tpu.enqueue_indirect_dma source(%dma_start3A_144 : memref<10240x64xf32, #tpu.memory_space<hbm>>) target(%arg11 : memref<128x64xf32, #tpu.memory_space<vmem>>) offsets(%dma_start3A_141 : memref<128xi32, #tpu.memory_space<vmem>>) semaphore(%arg14 : memref<!tpu.dma_semaphore, #tpu.memory_space<semaphore_mem>>)
      } else {
      }
      %mul3A_119 = arith.constant 4 : i32
      %mul3A_120 = arith.muli %mul3A_119, %scan3A_69 : i32
      %add3A_121 = arith.constant 3 : i32
      %add3A_122 = arith.addi %mul3A_120, %add3A_121 : i32
      %dma_wait3A_123 = arith.constant 0 : i32
      %dma_wait3A_124 = tpu.memref_slice %arg7[%add3A_122, %dma_wait3A_123] : memref<79x128xi32, #tpu.memory_space<vmem>> -> memref<1x128xi32, #tpu.memory_space<vmem>>
      %dma_wait3A_125 = tpu.memref_squeeze %dma_wait3A_124 : memref<1x128xi32, #tpu.memory_space<vmem>> -> memref<128xi32, #tpu.memory_space<vmem>>
      %dma_wait3A_126 = arith.constant 0 : i32
      %dma_wait3A_127 = arith.constant 0 : i32
      %dma_wait3A_128 = tpu.memref_slice %arg4[%dma_wait3A_126, %dma_wait3A_127] : memref<10240x64xf32, #tpu.memory_space<hbm>> -> memref<10240x64xf32, #tpu.memory_space<hbm>>
      tpu.wait_indirect_dma semaphore(%arg14 : memref<!tpu.dma_semaphore, #tpu.memory_space<semaphore_mem>>) src(%dma_wait3A_128 : memref<10240x64xf32, #tpu.memory_space<hbm>>) dst(%arg12 : memref<128x64xf32, #tpu.memory_space<vmem>>)
      "tpu.region"() ({
        %run_scoped3A_137 = tpu.sem_alloc : memref<!tpu.dma_semaphore, #tpu.memory_space<semaphore_mem>>
        %dma_start3A_138 = arith.constant 0 : i32
        %dma_start3A_139 = tpu.memref_slice %arg8[%add3A_122, %dma_start3A_138] : memref<79x128xi32, #tpu.memory_space<vmem>> -> memref<1x128xi32, #tpu.memory_space<vmem>>
        %dma_start3A_140 = tpu.memref_squeeze %dma_start3A_139 : memref<1x128xi32, #tpu.memory_space<vmem>> -> memref<128xi32, #tpu.memory_space<vmem>>
        %dma_start3A_141 = arith.constant 0 : i32
        %dma_start3A_142 = arith.constant 0 : i32
        %dma_start3A_143 = tpu.memref_slice %arg13[%dma_start3A_141, %dma_start3A_142] : memref<10240x64xf32, #tpu.memory_space<vmem_shared>> -> memref<10240x64xf32, #tpu.memory_space<vmem_shared>>
        tpu.enqueue_indirect_dma source(%arg12 : memref<128x64xf32, #tpu.memory_space<vmem>>) target(%dma_start3A_143 : memref<10240x64xf32, #tpu.memory_space<vmem_shared>>) offsets(%dma_start3A_140 : memref<128xi32, #tpu.memory_space<vmem>>) semaphore(%run_scoped3A_137 : memref<!tpu.dma_semaphore, #tpu.memory_space<semaphore_mem>>) {add = true}
        %dma_wait3A_144 = arith.constant 0 : i32
        %dma_wait3A_145 = tpu.memref_slice %arg8[%add3A_122, %dma_wait3A_144] : memref<79x128xi32, #tpu.memory_space<vmem>> -> memref<1x128xi32, #tpu.memory_space<vmem>>
        %dma_wait3A_146 = tpu.memref_squeeze %dma_wait3A_145 : memref<1x128xi32, #tpu.memory_space<vmem>> -> memref<128xi32, #tpu.memory_space<vmem>>
        %dma_wait3A_147 = arith.constant 0 : i32
        %dma_wait3A_148 = arith.constant 0 : i32
        %dma_wait3A_149 = tpu.memref_slice %arg13[%dma_wait3A_147, %dma_wait3A_148] : memref<10240x64xf32, #tpu.memory_space<vmem_shared>> -> memref<10240x64xf32, #tpu.memory_space<vmem_shared>>
        tpu.wait_indirect_dma semaphore(%run_scoped3A_137 : memref<!tpu.dma_semaphore, #tpu.memory_space<semaphore_mem>>) src(%arg12 : memref<128x64xf32, #tpu.memory_space<vmem>>) dst(%dma_wait3A_149 : memref<10240x64xf32, #tpu.memory_space<vmem_shared>>)
        tpu.yield
      }) : () -> ()
      %add3A_129 = arith.constant 4 : i32
      %add3A_130 = arith.addi %add3A_122, %add3A_129 : i32
      %lt3A_131 = arith.constant 79 : i32
      %lt3A_132 = arith.cmpi slt, %add3A_130, %lt3A_131 : i32
      %convert_element_type3A_133 = arith.extui %lt3A_132 : i1 to i32
      %cond3A_134 = arith.constant 0 : i32
      %cond3A_135 = arith.cmpi ne, %convert_element_type3A_133, %cond3A_134 : i32
      scf.if %cond3A_135 {
        %add3A_137 = arith.constant 4 : i32
        %add3A_138 = arith.addi %add3A_122, %add3A_137 : i32
        %dma_start3A_139 = arith.constant 0 : i32
        %dma_start3A_140 = tpu.memref_slice %arg7[%add3A_138, %dma_start3A_139] : memref<79x128xi32, #tpu.memory_space<vmem>> -> memref<1x128xi32, #tpu.memory_space<vmem>>
        %dma_start3A_141 = tpu.memref_squeeze %dma_start3A_140 : memref<1x128xi32, #tpu.memory_space<vmem>> -> memref<128xi32, #tpu.memory_space<vmem>>
        %dma_start3A_142 = arith.constant 0 : i32
        %dma_start3A_143 = arith.constant 0 : i32
        %dma_start3A_144 = tpu.memref_slice %arg4[%dma_start3A_142, %dma_start3A_143] : memref<10240x64xf32, #tpu.memory_space<hbm>> -> memref<10240x64xf32, #tpu.memory_space<hbm>>
        tpu.enqueue_indirect_dma source(%dma_start3A_144 : memref<10240x64xf32, #tpu.memory_space<hbm>>) target(%arg12 : memref<128x64xf32, #tpu.memory_space<vmem>>) offsets(%dma_start3A_141 : memref<128xi32, #tpu.memory_space<vmem>>) semaphore(%arg14 : memref<!tpu.dma_semaphore, #tpu.memory_space<semaphore_mem>>)
      } else {
      }
      %scan3A_136 = arith.constant 0 : i32
      scf.yield %scan3A_136 : i32
    }
    %scan3A_40 = arith.constant 19 : i32
    %dma_wait3A_41 = arith.constant 76 : i32
    %dma_wait3A_42 = arith.constant 0 : i32
    %dma_wait3A_43 = tpu.memref_slice %arg7[%dma_wait3A_41, %dma_wait3A_42] : memref<79x128xi32, #tpu.memory_space<vmem>> -> memref<1x128xi32, #tpu.memory_space<vmem>>
    %dma_wait3A_44 = tpu.memref_squeeze %dma_wait3A_43 : memref<1x128xi32, #tpu.memory_space<vmem>> -> memref<128xi32, #tpu.memory_space<vmem>>
    %dma_wait3A_45 = arith.constant 0 : i32
    %dma_wait3A_46 = arith.constant 0 : i32
    %dma_wait3A_47 = tpu.memref_slice %arg4[%dma_wait3A_45, %dma_wait3A_46] : memref<10240x64xf32, #tpu.memory_space<hbm>> -> memref<10240x64xf32, #tpu.memory_space<hbm>>
    tpu.wait_indirect_dma semaphore(%arg14 : memref<!tpu.dma_semaphore, #tpu.memory_space<semaphore_mem>>) src(%dma_wait3A_47 : memref<10240x64xf32, #tpu.memory_space<hbm>>) dst(%arg9 : memref<128x64xf32, #tpu.memory_space<vmem>>)
    %run_scoped3A = arith.constant 76 : i32
    "tpu.region"() ({
      %run_scoped3A_69 = tpu.sem_alloc : memref<!tpu.dma_semaphore, #tpu.memory_space<semaphore_mem>>
      %dma_start3A_70 = arith.constant 0 : i32
      %dma_start3A_71 = tpu.memref_slice %arg8[%run_scoped3A, %dma_start3A_70] : memref<79x128xi32, #tpu.memory_space<vmem>> -> memref<1x128xi32, #tpu.memory_space<vmem>>
      %dma_start3A_72 = tpu.memref_squeeze %dma_start3A_71 : memref<1x128xi32, #tpu.memory_space<vmem>> -> memref<128xi32, #tpu.memory_space<vmem>>
      %dma_start3A_73 = arith.constant 0 : i32
      %dma_start3A_74 = arith.constant 0 : i32
      %dma_start3A_75 = tpu.memref_slice %arg13[%dma_start3A_73, %dma_start3A_74] : memref<10240x64xf32, #tpu.memory_space<vmem_shared>> -> memref<10240x64xf32, #tpu.memory_space<vmem_shared>>
      tpu.enqueue_indirect_dma source(%arg9 : memref<128x64xf32, #tpu.memory_space<vmem>>) target(%dma_start3A_75 : memref<10240x64xf32, #tpu.memory_space<vmem_shared>>) offsets(%dma_start3A_72 : memref<128xi32, #tpu.memory_space<vmem>>) semaphore(%run_scoped3A_69 : memref<!tpu.dma_semaphore, #tpu.memory_space<semaphore_mem>>) {add = true}
      %dma_wait3A_76 = arith.constant 0 : i32
      %dma_wait3A_77 = tpu.memref_slice %arg8[%run_scoped3A, %dma_wait3A_76] : memref<79x128xi32, #tpu.memory_space<vmem>> -> memref<1x128xi32, #tpu.memory_space<vmem>>
      %dma_wait3A_78 = tpu.memref_squeeze %dma_wait3A_77 : memref<1x128xi32, #tpu.memory_space<vmem>> -> memref<128xi32, #tpu.memory_space<vmem>>
      %dma_wait3A_79 = arith.constant 0 : i32
      %dma_wait3A_80 = arith.constant 0 : i32
      %dma_wait3A_81 = tpu.memref_slice %arg13[%dma_wait3A_79, %dma_wait3A_80] : memref<10240x64xf32, #tpu.memory_space<vmem_shared>> -> memref<10240x64xf32, #tpu.memory_space<vmem_shared>>
      tpu.wait_indirect_dma semaphore(%run_scoped3A_69 : memref<!tpu.dma_semaphore, #tpu.memory_space<semaphore_mem>>) src(%arg9 : memref<128x64xf32, #tpu.memory_space<vmem>>) dst(%dma_wait3A_81 : memref<10240x64xf32, #tpu.memory_space<vmem_shared>>)
      tpu.yield
    }) : () -> ()
    %dma_wait3A_48 = arith.constant 77 : i32
    %dma_wait3A_49 = arith.constant 0 : i32
    %dma_wait3A_50 = tpu.memref_slice %arg7[%dma_wait3A_48, %dma_wait3A_49] : memref<79x128xi32, #tpu.memory_space<vmem>> -> memref<1x128xi32, #tpu.memory_space<vmem>>
    %dma_wait3A_51 = tpu.memref_squeeze %dma_wait3A_50 : memref<1x128xi32, #tpu.memory_space<vmem>> -> memref<128xi32, #tpu.memory_space<vmem>>
    %dma_wait3A_52 = arith.constant 0 : i32
    %dma_wait3A_53 = arith.constant 0 : i32
    %dma_wait3A_54 = tpu.memref_slice %arg4[%dma_wait3A_52, %dma_wait3A_53] : memref<10240x64xf32, #tpu.memory_space<hbm>> -> memref<10240x64xf32, #tpu.memory_space<hbm>>
    tpu.wait_indirect_dma semaphore(%arg14 : memref<!tpu.dma_semaphore, #tpu.memory_space<semaphore_mem>>) src(%dma_wait3A_54 : memref<10240x64xf32, #tpu.memory_space<hbm>>) dst(%arg10 : memref<128x64xf32, #tpu.memory_space<vmem>>)
    %run_scoped3A_55 = arith.constant 77 : i32
    "tpu.region"() ({
      %run_scoped3A_69 = tpu.sem_alloc : memref<!tpu.dma_semaphore, #tpu.memory_space<semaphore_mem>>
      %dma_start3A_70 = arith.constant 0 : i32
      %dma_start3A_71 = tpu.memref_slice %arg8[%run_scoped3A_55, %dma_start3A_70] : memref<79x128xi32, #tpu.memory_space<vmem>> -> memref<1x128xi32, #tpu.memory_space<vmem>>
      %dma_start3A_72 = tpu.memref_squeeze %dma_start3A_71 : memref<1x128xi32, #tpu.memory_space<vmem>> -> memref<128xi32, #tpu.memory_space<vmem>>
      %dma_start3A_73 = arith.constant 0 : i32
      %dma_start3A_74 = arith.constant 0 : i32
      %dma_start3A_75 = tpu.memref_slice %arg13[%dma_start3A_73, %dma_start3A_74] : memref<10240x64xf32, #tpu.memory_space<vmem_shared>> -> memref<10240x64xf32, #tpu.memory_space<vmem_shared>>
      tpu.enqueue_indirect_dma source(%arg10 : memref<128x64xf32, #tpu.memory_space<vmem>>) target(%dma_start3A_75 : memref<10240x64xf32, #tpu.memory_space<vmem_shared>>) offsets(%dma_start3A_72 : memref<128xi32, #tpu.memory_space<vmem>>) semaphore(%run_scoped3A_69 : memref<!tpu.dma_semaphore, #tpu.memory_space<semaphore_mem>>) {add = true}
      %dma_wait3A_76 = arith.constant 0 : i32
      %dma_wait3A_77 = tpu.memref_slice %arg8[%run_scoped3A_55, %dma_wait3A_76] : memref<79x128xi32, #tpu.memory_space<vmem>> -> memref<1x128xi32, #tpu.memory_space<vmem>>
      %dma_wait3A_78 = tpu.memref_squeeze %dma_wait3A_77 : memref<1x128xi32, #tpu.memory_space<vmem>> -> memref<128xi32, #tpu.memory_space<vmem>>
      %dma_wait3A_79 = arith.constant 0 : i32
      %dma_wait3A_80 = arith.constant 0 : i32
      %dma_wait3A_81 = tpu.memref_slice %arg13[%dma_wait3A_79, %dma_wait3A_80] : memref<10240x64xf32, #tpu.memory_space<vmem_shared>> -> memref<10240x64xf32, #tpu.memory_space<vmem_shared>>
      tpu.wait_indirect_dma semaphore(%run_scoped3A_69 : memref<!tpu.dma_semaphore, #tpu.memory_space<semaphore_mem>>) src(%arg10 : memref<128x64xf32, #tpu.memory_space<vmem>>) dst(%dma_wait3A_81 : memref<10240x64xf32, #tpu.memory_space<vmem_shared>>)
      tpu.yield
    }) : () -> ()
    %dma_wait3A_56 = arith.constant 78 : i32
    %dma_wait3A_57 = arith.constant 0 : i32
    %dma_wait3A_58 = tpu.memref_slice %arg7[%dma_wait3A_56, %dma_wait3A_57] : memref<79x128xi32, #tpu.memory_space<vmem>> -> memref<1x128xi32, #tpu.memory_space<vmem>>
    %dma_wait3A_59 = tpu.memref_squeeze %dma_wait3A_58 : memref<1x128xi32, #tpu.memory_space<vmem>> -> memref<128xi32, #tpu.memory_space<vmem>>
    %dma_wait3A_60 = arith.constant 0 : i32
    %dma_wait3A_61 = arith.constant 0 : i32
    %dma_wait3A_62 = tpu.memref_slice %arg4[%dma_wait3A_60, %dma_wait3A_61] : memref<10240x64xf32, #tpu.memory_space<hbm>> -> memref<10240x64xf32, #tpu.memory_space<hbm>>
    tpu.wait_indirect_dma semaphore(%arg14 : memref<!tpu.dma_semaphore, #tpu.memory_space<semaphore_mem>>) src(%dma_wait3A_62 : memref<10240x64xf32, #tpu.memory_space<hbm>>) dst(%arg11 : memref<128x64xf32, #tpu.memory_space<vmem>>)
    %run_scoped3A_63 = arith.constant 78 : i32
    "tpu.region"() ({
      %run_scoped3A_69 = tpu.sem_alloc : memref<!tpu.dma_semaphore, #tpu.memory_space<semaphore_mem>>
      %dma_start3A_70 = arith.constant 0 : i32
      %dma_start3A_71 = tpu.memref_slice %arg8[%run_scoped3A_63, %dma_start3A_70] : memref<79x128xi32, #tpu.memory_space<vmem>> -> memref<1x128xi32, #tpu.memory_space<vmem>>
      %dma_start3A_72 = tpu.memref_squeeze %dma_start3A_71 : memref<1x128xi32, #tpu.memory_space<vmem>> -> memref<128xi32, #tpu.memory_space<vmem>>
      %dma_start3A_73 = arith.constant 0 : i32
      %dma_start3A_74 = arith.constant 0 : i32
      %dma_start3A_75 = tpu.memref_slice %arg13[%dma_start3A_73, %dma_start3A_74] : memref<10240x64xf32, #tpu.memory_space<vmem_shared>> -> memref<10240x64xf32, #tpu.memory_space<vmem_shared>>
      tpu.enqueue_indirect_dma source(%arg11 : memref<128x64xf32, #tpu.memory_space<vmem>>) target(%dma_start3A_75 : memref<10240x64xf32, #tpu.memory_space<vmem_shared>>) offsets(%dma_start3A_72 : memref<128xi32, #tpu.memory_space<vmem>>) semaphore(%run_scoped3A_69 : memref<!tpu.dma_semaphore, #tpu.memory_space<semaphore_mem>>) {add = true}
      %dma_wait3A_76 = arith.constant 0 : i32
      %dma_wait3A_77 = tpu.memref_slice %arg8[%run_scoped3A_63, %dma_wait3A_76] : memref<79x128xi32, #tpu.memory_space<vmem>> -> memref<1x128xi32, #tpu.memory_space<vmem>>
      %dma_wait3A_78 = tpu.memref_squeeze %dma_wait3A_77 : memref<1x128xi32, #tpu.memory_space<vmem>> -> memref<128xi32, #tpu.memory_space<vmem>>
      %dma_wait3A_79 = arith.constant 0 : i32
      %dma_wait3A_80 = arith.constant 0 : i32
      %dma_wait3A_81 = tpu.memref_slice %arg13[%dma_wait3A_79, %dma_wait3A_80] : memref<10240x64xf32, #tpu.memory_space<vmem_shared>> -> memref<10240x64xf32, #tpu.memory_space<vmem_shared>>
      tpu.wait_indirect_dma semaphore(%run_scoped3A_69 : memref<!tpu.dma_semaphore, #tpu.memory_space<semaphore_mem>>) src(%arg11 : memref<128x64xf32, #tpu.memory_space<vmem>>) dst(%dma_wait3A_81 : memref<10240x64xf32, #tpu.memory_space<vmem_shared>>)
      tpu.yield
    }) : () -> ()
    %barrier3A_64 = arith.constant 0 : index
    tpu.barrier barrier_id(%barrier3A_64)
    %mul3A_65 = arith.constant 640 : i32
    %mul3A_66 = arith.muli %arg1, %mul3A_65 : i32
    %mul3A_67 = arith.constant 640 : i32
    %mul3A_68 = arith.muli %arg1, %mul3A_67 : i32
    "tpu.region"() ({
      %run_scoped3A_69 = tpu.sem_alloc : memref<!tpu.dma_semaphore, #tpu.memory_space<semaphore_mem>>
      %dma_start3A_70 = arith.constant 0 : i32
      %dma_start3A_71 = tpu.memref_slice %arg6[%arg0, %mul3A_68, %dma_start3A_70] : memref<2x10240x64xf32, #tpu.memory_space<hbm>> -> memref<1x640x64xf32, #tpu.memory_space<hbm>>
      %dma_start3A_72 = tpu.memref_squeeze %dma_start3A_71 : memref<1x640x64xf32, #tpu.memory_space<hbm>> -> memref<640x64xf32, #tpu.memory_space<hbm>>
      %dma_start3A_73 = arith.constant 0 : i32
      %dma_start3A_74 = tpu.memref_slice %arg13[%mul3A_66, %dma_start3A_73] : memref<10240x64xf32, #tpu.memory_space<vmem_shared>> -> memref<640x64xf32, #tpu.memory_space<vmem_shared>>
      tpu.enqueue_dma source(%dma_start3A_74 : memref<640x64xf32, #tpu.memory_space<vmem_shared>>) target(%dma_start3A_72 : memref<640x64xf32, #tpu.memory_space<hbm>>) target_semaphore(%run_scoped3A_69 : memref<!tpu.dma_semaphore, #tpu.memory_space<semaphore_mem>>)
      %dma_wait3A_75 = arith.constant 0 : i32
      %dma_wait3A_76 = tpu.memref_slice %arg6[%arg0, %mul3A_68, %dma_wait3A_75] : memref<2x10240x64xf32, #tpu.memory_space<hbm>> -> memref<1x640x64xf32, #tpu.memory_space<hbm>>
      %dma_wait3A_77 = tpu.memref_squeeze %dma_wait3A_76 : memref<1x640x64xf32, #tpu.memory_space<hbm>> -> memref<640x64xf32, #tpu.memory_space<hbm>>
      %dma_wait3A_78 = arith.constant 0 : i32
      %dma_wait3A_79 = tpu.memref_slice %arg13[%mul3A_66, %dma_wait3A_78] : memref<10240x64xf32, #tpu.memory_space<vmem_shared>> -> memref<640x64xf32, #tpu.memory_space<vmem_shared>>
      tpu.wait_dma2 semaphore(%run_scoped3A_69 : memref<!tpu.dma_semaphore, #tpu.memory_space<semaphore_mem>>) src(%dma_wait3A_79 : memref<640x64xf32, #tpu.memory_space<vmem_shared>>) dst(%dma_wait3A_77 : memref<640x64xf32, #tpu.memory_space<hbm>>)
      tpu.yield
    }) : () -> ()
    return
  }
}

module attributes {stable_mosaic.version = 14 : i64} {
  func.func @_t1_body(%arg0: i32, %arg1: memref<512x128xf32, #tpu.memory_space<vmem>>, %arg2: memref<128x128xf32, #tpu.memory_space<vmem>>, %arg3: memref<2x512x8xf32, #tpu.memory_space<vmem>>, %arg4: memref<512x128xf32, #tpu.memory_space<vmem>>) attributes {dimension_semantics = [#tpu.dimension_semantics<arbitrary>], iteration_bounds = array<i64: 20>, scalar_prefetch = 0 : i64, scratch_operands = 0 : i64, tpu.core_type = #tpu.core_type<tc>, window_params = [{transform_indices = @transform_0, window_bounds = array<i64: 512, 128>}, {pipeline_mode = #tpu.pipeline_mode<synchronous>, transform_indices = @transform_1, window_bounds = array<i64: 128, 128>}, {transform_indices = @transform_2, window_bounds = array<i64: 2, 512, 8>}, {transform_indices = @transform_3, window_bounds = array<i64: 512, 128>}]} {
    %get3A = arith.constant 0 : index
    %get3A_0 = arith.constant 0 : index
    %get3A_1 = arith.constant 0 : index
    %get3A_2 = vector.load %arg3[%get3A, %get3A_0, %get3A_1] : memref<2x512x8xf32, #tpu.memory_space<vmem>>, vector<1x512x1xf32>
    %get3A_3 = vector.shape_cast %get3A_2 : vector<1x512x1xf32> to vector<512x1xf32>
    %get3A_4 = arith.constant 1 : index
    %get3A_5 = arith.constant 0 : index
    %get3A_6 = arith.constant 0 : index
    %get3A_7 = vector.load %arg3[%get3A_4, %get3A_5, %get3A_6] : memref<2x512x8xf32, #tpu.memory_space<vmem>>, vector<1x512x1xf32>
    %get3A_8 = vector.shape_cast %get3A_7 : vector<1x512x1xf32> to vector<512x1xf32>
    %add3A = arith.addf %get3A_3, %get3A_8 : vector<512x1xf32>
    %add3A_9 = arith.constant 1.000000e+00 : f32
    %add3A_10 = vector.broadcast %add3A_9 : f32 to vector<512x1xf32>
    %add3A_11 = arith.addf %add3A, %add3A_10 : vector<512x1xf32>
    %rsqrt3A = math.rsqrt %add3A_11 : vector<512x1xf32>
    %get3A_12 = arith.constant 0 : index
    %get3A_13 = arith.constant 0 : index
    %get3A_14 = vector.load %arg1[%get3A_12, %get3A_13] : memref<512x128xf32, #tpu.memory_space<vmem>>, vector<512x128xf32>
    %get3A_15 = arith.constant 0 : index
    %get3A_16 = arith.constant 0 : index
    %get3A_17 = vector.load %arg2[%get3A_15, %get3A_16] : memref<128x128xf32, #tpu.memory_space<vmem>>, vector<128x128xf32>
    %dot_general3A = arith.constant dense<0.000000e+00> : vector<512x128xf32>
    %dot_general3A_18 = tpu.matmul %get3A_14, %get3A_17, %dot_general3A {dimension_numbers = #tpu.dot_dimension_numbers<[1], [0], [0], [1], [0, 0, 1, 1], [], []>, precision = #tpu.contract_precision<fp32>, transpose_lhs_hint = false} : vector<512x128xf32>, vector<128x128xf32>, vector<512x128xf32> -> vector<512x128xf32>
    %mul3A = vector.broadcast %rsqrt3A : vector<512x1xf32> to vector<512x128xf32>
    %mul3A_19 = arith.mulf %dot_general3A_18, %mul3A : vector<512x128xf32>
    %swap3A = arith.constant 0 : index
    %swap3A_20 = arith.constant 0 : index
    %swap3A_21 = vector.load %arg4[%swap3A, %swap3A_20] : memref<512x128xf32, #tpu.memory_space<vmem>>, vector<512x128xf32>
    tpu.vector_store %arg4[%swap3A, %swap3A_20], %mul3A_19 {strides = array<i32>} : memref<512x128xf32, #tpu.memory_space<vmem>>, vector<512x128xf32>,
    return
  }
  func.func @transform_0(%arg0: i32) -> (i32, i32) {
    %c0_i32 = arith.constant 0 : i32
    %c0_i32_0 = arith.constant 0 : i32
    return %arg0, %c0_i32 : i32, i32
  }
  func.func @transform_1(%arg0: i32) -> (i32, i32) {
    %c0_i32 = arith.constant 0 : i32
    %c0_i32_0 = arith.constant 0 : i32
    %c0_i32_1 = arith.constant 0 : i32
    return %c0_i32, %c0_i32_0 : i32, i32
  }
  func.func @transform_2(%arg0: i32) -> (i32, i32, i32) {
    %c0_i32 = arith.constant 0 : i32
    %c0_i32_0 = arith.constant 0 : i32
    %c0_i32_1 = arith.constant 0 : i32
    return %c0_i32, %arg0, %c0_i32_0 : i32, i32, i32
  }
  func.func @transform_3(%arg0: i32) -> (i32, i32) {
    %c0_i32 = arith.constant 0 : i32
    %c0_i32_0 = arith.constant 0 : i32
    return %arg0, %c0_i32 : i32, i32
  }
}

module attributes {stable_mosaic.version = 14 : i64} {
  func.func @_t2_body(%arg0: i32, %arg1: memref<2x512x128xf32, #tpu.memory_space<vmem>>, %arg2: memref<512x128xf32, #tpu.memory_space<vmem>>, %arg3: memref<2x512x8xf32, #tpu.memory_space<vmem>>, %arg4: memref<1x128xf32, #tpu.memory_space<vmem>>, %arg5: memref<128x64xf32, #tpu.memory_space<vmem>>, %arg6: memref<512x64xf32, #tpu.memory_space<vmem>>) attributes {dimension_semantics = [#tpu.dimension_semantics<arbitrary>], iteration_bounds = array<i64: 20>, scalar_prefetch = 0 : i64, scratch_operands = 0 : i64, tpu.core_type = #tpu.core_type<tc>, window_params = [{transform_indices = @transform_0, window_bounds = array<i64: 2, 512, 128>}, {transform_indices = @transform_1, window_bounds = array<i64: 512, 128>}, {transform_indices = @transform_2, window_bounds = array<i64: 2, 512, 8>}, {pipeline_mode = #tpu.pipeline_mode<synchronous>, transform_indices = @transform_3, window_bounds = array<i64: 1, 128>}, {pipeline_mode = #tpu.pipeline_mode<synchronous>, transform_indices = @transform_4, window_bounds = array<i64: 128, 64>}, {transform_indices = @transform_5, window_bounds = array<i64: 512, 64>}]} {
    %get3A = arith.constant 0 : index
    %get3A_0 = arith.constant 0 : index
    %get3A_1 = arith.constant 0 : index
    %get3A_2 = vector.load %arg3[%get3A, %get3A_0, %get3A_1] : memref<2x512x8xf32, #tpu.memory_space<vmem>>, vector<1x512x1xf32>
    %get3A_3 = vector.shape_cast %get3A_2 : vector<1x512x1xf32> to vector<512x1xf32>
    %get3A_4 = arith.constant 1 : index
    %get3A_5 = arith.constant 0 : index
    %get3A_6 = arith.constant 0 : index
    %get3A_7 = vector.load %arg3[%get3A_4, %get3A_5, %get3A_6] : memref<2x512x8xf32, #tpu.memory_space<vmem>>, vector<1x512x1xf32>
    %get3A_8 = vector.shape_cast %get3A_7 : vector<1x512x1xf32> to vector<512x1xf32>
    %add3A = arith.addf %get3A_3, %get3A_8 : vector<512x1xf32>
    %add3A_9 = arith.constant 1.000000e+00 : f32
    %add3A_10 = vector.broadcast %add3A_9 : f32 to vector<512x1xf32>
    %add3A_11 = arith.addf %add3A, %add3A_10 : vector<512x1xf32>
    %rsqrt3A = math.rsqrt %add3A_11 : vector<512x1xf32>
    %get3A_12 = arith.constant 0 : index
    %get3A_13 = arith.constant 0 : index
    %get3A_14 = arith.constant 0 : index
    %get3A_15 = vector.load %arg1[%get3A_12, %get3A_13, %get3A_14] : memref<2x512x128xf32, #tpu.memory_space<vmem>>, vector<1x512x128xf32>
    %get3A_16 = vector.shape_cast %get3A_15 : vector<1x512x128xf32> to vector<512x128xf32>
    %get3A_17 = arith.constant 1 : index
    %get3A_18 = arith.constant 0 : index
    %get3A_19 = arith.constant 0 : index
    %get3A_20 = vector.load %arg1[%get3A_17, %get3A_18, %get3A_19] : memref<2x512x128xf32, #tpu.memory_space<vmem>>, vector<1x512x128xf32>
    %get3A_21 = vector.shape_cast %get3A_20 : vector<1x512x128xf32> to vector<512x128xf32>
    %add3A_22 = arith.addf %get3A_16, %get3A_21 : vector<512x128xf32>
    %get3A_23 = arith.constant 0 : index
    %get3A_24 = arith.constant 0 : index
    %get3A_25 = vector.load %arg2[%get3A_23, %get3A_24] : memref<512x128xf32, #tpu.memory_space<vmem>>, vector<512x128xf32>
    %add3A_26 = arith.addf %add3A_22, %get3A_25 : vector<512x128xf32>
    %mul3A = vector.broadcast %rsqrt3A : vector<512x1xf32> to vector<512x128xf32>
    %mul3A_27 = arith.mulf %add3A_26, %mul3A : vector<512x128xf32>
    %get3A_28 = arith.constant 0 : index
    %get3A_29 = arith.constant 0 : index
    %get3A_30 = vector.load %arg4[%get3A_28, %get3A_29] : memref<1x128xf32, #tpu.memory_space<vmem>>, vector<1x128xf32>
    %add3A_31 = vector.broadcast %get3A_30 : vector<1x128xf32> to vector<512x128xf32>
    %add3A_32 = arith.addf %mul3A_27, %add3A_31 : vector<512x128xf32>
    %max3A = arith.constant 0.000000e+00 : f32
    %max3A_33 = vector.broadcast %max3A : f32 to vector<512x128xf32>
    %max3A_34 = arith.maximumf %add3A_32, %max3A_33 : vector<512x128xf32>
    %get3A_35 = arith.constant 0 : index
    %get3A_36 = arith.constant 0 : index
    %get3A_37 = vector.load %arg5[%get3A_35, %get3A_36] : memref<128x64xf32, #tpu.memory_space<vmem>>, vector<128x64xf32>
    %dot_general3A = arith.constant dense<0.000000e+00> : vector<512x64xf32>
    %dot_general3A_38 = tpu.matmul %max3A_34, %get3A_37, %dot_general3A {dimension_numbers = #tpu.dot_dimension_numbers<[1], [0], [0], [1], [0, 0, 1, 1], [], []>, precision = #tpu.contract_precision<fp32>, transpose_lhs_hint = false} : vector<512x128xf32>, vector<128x64xf32>, vector<512x64xf32> -> vector<512x64xf32>
    %mul3A_39 = vector.broadcast %rsqrt3A : vector<512x1xf32> to vector<512x64xf32>
    %mul3A_40 = arith.mulf %dot_general3A_38, %mul3A_39 : vector<512x64xf32>
    %swap3A = arith.constant 0 : index
    %swap3A_41 = arith.constant 0 : index
    %swap3A_42 = vector.load %arg6[%swap3A, %swap3A_41] : memref<512x64xf32, #tpu.memory_space<vmem>>, vector<512x64xf32>
    tpu.vector_store %arg6[%swap3A, %swap3A_41], %mul3A_40 {strides = array<i32>} : memref<512x64xf32, #tpu.memory_space<vmem>>, vector<512x64xf32>,
    return
  }
  func.func @transform_0(%arg0: i32) -> (i32, i32, i32) {
    %c0_i32 = arith.constant 0 : i32
    %c0_i32_0 = arith.constant 0 : i32
    %c0_i32_1 = arith.constant 0 : i32
    return %c0_i32, %arg0, %c0_i32_0 : i32, i32, i32
  }
  func.func @transform_1(%arg0: i32) -> (i32, i32) {
    %c0_i32 = arith.constant 0 : i32
    %c0_i32_0 = arith.constant 0 : i32
    return %arg0, %c0_i32 : i32, i32
  }
  func.func @transform_2(%arg0: i32) -> (i32, i32, i32) {
    %c0_i32 = arith.constant 0 : i32
    %c0_i32_0 = arith.constant 0 : i32
    %c0_i32_1 = arith.constant 0 : i32
    return %c0_i32, %arg0, %c0_i32_0 : i32, i32, i32
  }
  func.func @transform_3(%arg0: i32) -> (i32, i32) {
    %c0_i32 = arith.constant 0 : i32
    %c0_i32_0 = arith.constant 0 : i32
    %c0_i32_1 = arith.constant 0 : i32
    return %c0_i32, %c0_i32_0 : i32, i32
  }
  func.func @transform_4(%arg0: i32) -> (i32, i32) {
    %c0_i32 = arith.constant 0 : i32
    %c0_i32_0 = arith.constant 0 : i32
    %c0_i32_1 = arith.constant 0 : i32
    return %c0_i32, %c0_i32_0 : i32, i32
  }
  func.func @transform_5(%arg0: i32) -> (i32, i32) {
    %c0_i32 = arith.constant 0 : i32
    %c0_i32_0 = arith.constant 0 : i32
    return %arg0, %c0_i32 : i32, i32
  }
}

module attributes {stable_mosaic.version = 14 : i64} {
  func.func @_t3_body(%arg0: i32, %arg1: memref<2x512x64xf32, #tpu.memory_space<vmem>>, %arg2: memref<512x64xf32, #tpu.memory_space<vmem>>, %arg3: memref<2x512x8xf32, #tpu.memory_space<vmem>>, %arg4: memref<1x64xf32, #tpu.memory_space<vmem>>, %arg5: memref<512x1xi32, #tpu.memory_space<vmem>>, %arg6: memref<64x10xf32, #tpu.memory_space<vmem>>, %arg7: memref<1x10xf32, #tpu.memory_space<vmem>>, %arg8: memref<64x10xf32, #tpu.memory_space<vmem>>, %arg9: memref<64x64xf32, #tpu.memory_space<vmem>>, %arg10: memref<64x1xf32, #tpu.memory_space<vmem>>) attributes {dimension_semantics = [#tpu.dimension_semantics<arbitrary>], iteration_bounds = array<i64: 20>, scalar_prefetch = 0 : i64, scratch_operands = 2 : i64, tpu.core_type = #tpu.core_type<tc>, window_params = [{transform_indices = @transform_0, window_bounds = array<i64: 2, 512, 64>}, {transform_indices = @transform_1, window_bounds = array<i64: 512, 64>}, {transform_indices = @transform_2, window_bounds = array<i64: 2, 512, 8>}, {pipeline_mode = #tpu.pipeline_mode<synchronous>, transform_indices = @transform_3, window_bounds = array<i64: 1, 64>}, {transform_indices = @transform_4, window_bounds = array<i64: 512, 1>}, {pipeline_mode = #tpu.pipeline_mode<synchronous>, transform_indices = @transform_5, window_bounds = array<i64: 64, 10>}, {pipeline_mode = #tpu.pipeline_mode<synchronous>, transform_indices = @transform_6, window_bounds = array<i64: 1, 10>}, {pipeline_mode = #tpu.pipeline_mode<synchronous>, transform_indices = @transform_7, window_bounds = array<i64: 64, 10>}]} {
    %get3A = arith.constant 0 : index
    %get3A_0 = arith.constant 0 : index
    %get3A_1 = arith.constant 0 : index
    %get3A_2 = vector.load %arg3[%get3A, %get3A_0, %get3A_1] : memref<2x512x8xf32, #tpu.memory_space<vmem>>, vector<1x512x1xf32>
    %get3A_3 = vector.shape_cast %get3A_2 : vector<1x512x1xf32> to vector<512x1xf32>
    %get3A_4 = arith.constant 1 : index
    %get3A_5 = arith.constant 0 : index
    %get3A_6 = arith.constant 0 : index
    %get3A_7 = vector.load %arg3[%get3A_4, %get3A_5, %get3A_6] : memref<2x512x8xf32, #tpu.memory_space<vmem>>, vector<1x512x1xf32>
    %get3A_8 = vector.shape_cast %get3A_7 : vector<1x512x1xf32> to vector<512x1xf32>
    %add3A = arith.addf %get3A_3, %get3A_8 : vector<512x1xf32>
    %add3A_9 = arith.constant 1.000000e+00 : f32
    %add3A_10 = vector.broadcast %add3A_9 : f32 to vector<512x1xf32>
    %add3A_11 = arith.addf %add3A, %add3A_10 : vector<512x1xf32>
    %rsqrt3A = math.rsqrt %add3A_11 : vector<512x1xf32>
    %get3A_12 = arith.constant 0 : index
    %get3A_13 = arith.constant 0 : index
    %get3A_14 = arith.constant 0 : index
    %get3A_15 = vector.load %arg1[%get3A_12, %get3A_13, %get3A_14] : memref<2x512x64xf32, #tpu.memory_space<vmem>>, vector<1x512x64xf32>
    %get3A_16 = vector.shape_cast %get3A_15 : vector<1x512x64xf32> to vector<512x64xf32>
    %get3A_17 = arith.constant 1 : index
    %get3A_18 = arith.constant 0 : index
    %get3A_19 = arith.constant 0 : index
    %get3A_20 = vector.load %arg1[%get3A_17, %get3A_18, %get3A_19] : memref<2x512x64xf32, #tpu.memory_space<vmem>>, vector<1x512x64xf32>
    %get3A_21 = vector.shape_cast %get3A_20 : vector<1x512x64xf32> to vector<512x64xf32>
    %add3A_22 = arith.addf %get3A_16, %get3A_21 : vector<512x64xf32>
    %get3A_23 = arith.constant 0 : index
    %get3A_24 = arith.constant 0 : index
    %get3A_25 = vector.load %arg2[%get3A_23, %get3A_24] : memref<512x64xf32, #tpu.memory_space<vmem>>, vector<512x64xf32>
    %add3A_26 = arith.addf %add3A_22, %get3A_25 : vector<512x64xf32>
    %mul3A = vector.broadcast %rsqrt3A : vector<512x1xf32> to vector<512x64xf32>
    %mul3A_27 = arith.mulf %add3A_26, %mul3A : vector<512x64xf32>
    %get3A_28 = arith.constant 0 : index
    %get3A_29 = arith.constant 0 : index
    %get3A_30 = vector.load %arg4[%get3A_28, %get3A_29] : memref<1x64xf32, #tpu.memory_space<vmem>>, vector<1x64xf32>
    %add3A_31 = vector.broadcast %get3A_30 : vector<1x64xf32> to vector<512x64xf32>
    %add3A_32 = arith.addf %mul3A_27, %add3A_31 : vector<512x64xf32>
    %max3A = arith.constant 0.000000e+00 : f32
    %max3A_33 = vector.broadcast %max3A : f32 to vector<512x64xf32>
    %max3A_34 = arith.maximumf %add3A_32, %max3A_33 : vector<512x64xf32>
    %iota3A = tpu.iota {dimensions = array<i32: 1>} : vector<512x64xi32>
    %get3A_35 = arith.constant 0 : index
    %get3A_36 = arith.constant 0 : index
    %get3A_37 = vector.load %arg5[%get3A_35, %get3A_36] : memref<512x1xi32, #tpu.memory_space<vmem>>, vector<512x1xi32>
    %eq3A = vector.broadcast %get3A_37 : vector<512x1xi32> to vector<512x64xi32>
    %eq3A_38 = arith.cmpi eq, %eq3A, %iota3A : vector<512x64xi32>
    %jit3A = arith.constant 1.000000e+00 : f32
    %jit3A_39 = arith.constant 0.000000e+00 : f32
    %broadcast_in_dim3A = vector.broadcast %jit3A : f32 to vector<512x64xf32>
    %broadcast_in_dim3A_40 = vector.broadcast %jit3A_39 : f32 to vector<512x64xf32>
    %select_n3A = arith.select %eq3A_38, %broadcast_in_dim3A, %broadcast_in_dim3A_40 : vector<512x64xi1>, vector<512x64xf32>
    %eq3A_41 = arith.constant 0 : i32
    %eq3A_42 = arith.cmpi eq, %arg0, %eq3A_41 : i32
    %convert_element_type3A = arith.extui %eq3A_42 : i1 to i32
    %cond3A = arith.constant 0 : i32
    %cond3A_43 = arith.cmpi ne, %convert_element_type3A, %cond3A : i32
    scf.if %cond3A_43 {
      %broadcast_in_dim3A_67 = arith.constant 0.000000e+00 : f32
      %broadcast_in_dim3A_68 = vector.broadcast %broadcast_in_dim3A_67 : f32 to vector<64x64xf32>
      %swap3A_69 = arith.constant 0 : index
      %swap3A_70 = arith.constant 0 : index
      %swap3A_71 = vector.load %arg9[%swap3A_69, %swap3A_70] : memref<64x64xf32, #tpu.memory_space<vmem>>, vector<64x64xf32>
      tpu.vector_store %arg9[%swap3A_69, %swap3A_70], %broadcast_in_dim3A_68 {strides = array<i32>} : memref<64x64xf32, #tpu.memory_space<vmem>>, vector<64x64xf32>,
      %broadcast_in_dim3A_72 = arith.constant 0.000000e+00 : f32
      %broadcast_in_dim3A_73 = vector.broadcast %broadcast_in_dim3A_72 : f32 to vector<64x1xf32>
      %swap3A_74 = arith.constant 0 : index
      %swap3A_75 = arith.constant 0 : index
      %swap3A_76 = vector.load %arg10[%swap3A_74, %swap3A_75] : memref<64x1xf32, #tpu.memory_space<vmem>>, vector<64x1xf32>
      tpu.vector_store %arg10[%swap3A_74, %swap3A_75], %broadcast_in_dim3A_73 {strides = array<i32>} : memref<64x1xf32, #tpu.memory_space<vmem>>, vector<64x1xf32>,
    } else {
    }
    %get3A_44 = arith.constant 0 : index
    %get3A_45 = arith.constant 0 : index
    %get3A_46 = vector.load %arg9[%get3A_44, %get3A_45] : memref<64x64xf32, #tpu.memory_space<vmem>>, vector<64x64xf32>
    %dot_general3A = arith.constant dense<0.000000e+00> : vector<64x64xf32>
    %dot_general3A_47 = tpu.matmul %select_n3A, %max3A_34, %dot_general3A {dimension_numbers = #tpu.dot_dimension_numbers<[0], [0], [1], [1], [0, 1, 1, 1], [], []>, precision = #tpu.contract_precision<fp32>, transpose_lhs_hint = false} : vector<512x64xf32>, vector<512x64xf32>, vector<64x64xf32> -> vector<64x64xf32>
    %add3A_48 = arith.addf %get3A_46, %dot_general3A_47 : vector<64x64xf32>
    %swap3A = arith.constant 0 : index
    %swap3A_49 = arith.constant 0 : index
    %swap3A_50 = vector.load %arg9[%swap3A, %swap3A_49] : memref<64x64xf32, #tpu.memory_space<vmem>>, vector<64x64xf32>
    tpu.vector_store %arg9[%swap3A, %swap3A_49], %add3A_48 {strides = array<i32>} : memref<64x64xf32, #tpu.memory_space<vmem>>, vector<64x64xf32>,
    %get3A_51 = arith.constant 0 : index
    %get3A_52 = arith.constant 0 : index
    %get3A_53 = vector.load %arg10[%get3A_51, %get3A_52] : memref<64x1xf32, #tpu.memory_space<vmem>>, vector<64x1xf32>
    %broadcast_in_dim3A_54 = arith.constant 1.000000e+00 : f32
    %broadcast_in_dim3A_55 = vector.broadcast %broadcast_in_dim3A_54 : f32 to vector<512x1xf32>
    %dot_general3A_56 = arith.constant dense<0.000000e+00> : vector<64x1xf32>
    %dot_general3A_57 = tpu.matmul %select_n3A, %broadcast_in_dim3A_55, %dot_general3A_56 {dimension_numbers = #tpu.dot_dimension_numbers<[0], [0], [1], [1], [0, 1, 1, 1], [], []>, precision = #tpu.contract_precision<fp32>, transpose_lhs_hint = false} : vector<512x64xf32>, vector<512x1xf32>, vector<64x1xf32> -> vector<64x1xf32>
    %add3A_58 = arith.addf %get3A_53, %dot_general3A_57 : vector<64x1xf32>
    %swap3A_59 = arith.constant 0 : index
    %swap3A_60 = arith.constant 0 : index
    %swap3A_61 = vector.load %arg10[%swap3A_59, %swap3A_60] : memref<64x1xf32, #tpu.memory_space<vmem>>, vector<64x1xf32>
    tpu.vector_store %arg10[%swap3A_59, %swap3A_60], %add3A_58 {strides = array<i32>} : memref<64x1xf32, #tpu.memory_space<vmem>>, vector<64x1xf32>,
    %eq3A_62 = arith.constant 19 : i32
    %eq3A_63 = arith.cmpi eq, %arg0, %eq3A_62 : i32
    %convert_element_type3A_64 = arith.extui %eq3A_63 : i1 to i32
    %cond3A_65 = arith.constant 0 : i32
    %cond3A_66 = arith.cmpi ne, %convert_element_type3A_64, %cond3A_65 : i32
    scf.if %cond3A_66 {
      %get3A_67 = arith.constant 0 : index
      %get3A_68 = arith.constant 0 : index
      %get3A_69 = vector.load %arg9[%get3A_67, %get3A_68] : memref<64x64xf32, #tpu.memory_space<vmem>>, vector<64x64xf32>
      %get3A_70 = arith.constant 0 : index
      %get3A_71 = arith.constant 0 : index
      %get3A_72 = vector.load %arg10[%get3A_70, %get3A_71] : memref<64x1xf32, #tpu.memory_space<vmem>>, vector<64x1xf32>
      %max3A_73 = arith.constant 1.000000e+00 : f32
      %max3A_74 = vector.broadcast %max3A_73 : f32 to vector<64x1xf32>
      %max3A_75 = arith.maximumf %get3A_72, %max3A_74 : vector<64x1xf32>
      %div3A = vector.broadcast %max3A_75 : vector<64x1xf32> to vector<64x64xf32>
      %div3A_76 = arith.divf %get3A_69, %div3A : vector<64x64xf32>
      %get3A_77 = arith.constant 0 : index
      %get3A_78 = arith.constant 0 : index
      %get3A_79 = vector.load %arg6[%get3A_77, %get3A_78] : memref<64x10xf32, #tpu.memory_space<vmem>>, vector<64x10xf32>
      %dot_general3A_80 = arith.constant dense<0.000000e+00> : vector<64x10xf32>
      %dot_general3A_81 = tpu.matmul %div3A_76, %get3A_79, %dot_general3A_80 {dimension_numbers = #tpu.dot_dimension_numbers<[1], [0], [0], [1], [0, 0, 1, 1], [], []>, precision = #tpu.contract_precision<fp32>, transpose_lhs_hint = false} : vector<64x64xf32>, vector<64x10xf32>, vector<64x10xf32> -> vector<64x10xf32>
      %get3A_82 = arith.constant 0 : index
      %get3A_83 = arith.constant 0 : index
      %get3A_84 = vector.load %arg7[%get3A_82, %get3A_83] : memref<1x10xf32, #tpu.memory_space<vmem>>, vector<1x10xf32>
      %add3A_85 = vector.broadcast %get3A_84 : vector<1x10xf32> to vector<64x10xf32>
      %add3A_86 = arith.addf %dot_general3A_81, %add3A_85 : vector<64x10xf32>
      %swap3A_87 = arith.constant 0 : index
      %swap3A_88 = arith.constant 0 : index
      %swap3A_89 = vector.load %arg8[%swap3A_87, %swap3A_88] : memref<64x10xf32, #tpu.memory_space<vmem>>, vector<64x10xf32>
      tpu.vector_store %arg8[%swap3A_87, %swap3A_88], %add3A_86 {strides = array<i32>} : memref<64x10xf32, #tpu.memory_space<vmem>>, vector<64x10xf32>,
    } else {
    }
    return
  }
  func.func @transform_0(%arg0: i32) -> (i32, i32, i32) {
    %c0_i32 = arith.constant 0 : i32
    %c0_i32_0 = arith.constant 0 : i32
    %c0_i32_1 = arith.constant 0 : i32
    return %c0_i32, %arg0, %c0_i32_0 : i32, i32, i32
  }
  func.func @transform_1(%arg0: i32) -> (i32, i32) {
    %c0_i32 = arith.constant 0 : i32
    %c0_i32_0 = arith.constant 0 : i32
    return %arg0, %c0_i32 : i32, i32
  }
  func.func @transform_2(%arg0: i32) -> (i32, i32, i32) {
    %c0_i32 = arith.constant 0 : i32
    %c0_i32_0 = arith.constant 0 : i32
    %c0_i32_1 = arith.constant 0 : i32
    return %c0_i32, %arg0, %c0_i32_0 : i32, i32, i32
  }
  func.func @transform_3(%arg0: i32) -> (i32, i32) {
    %c0_i32 = arith.constant 0 : i32
    %c0_i32_0 = arith.constant 0 : i32
    %c0_i32_1 = arith.constant 0 : i32
    return %c0_i32, %c0_i32_0 : i32, i32
  }
  func.func @transform_4(%arg0: i32) -> (i32, i32) {
    %c0_i32 = arith.constant 0 : i32
    %c0_i32_0 = arith.constant 0 : i32
    return %arg0, %c0_i32 : i32, i32
  }
  func.func @transform_5(%arg0: i32) -> (i32, i32) {
    %c0_i32 = arith.constant 0 : i32
    %c0_i32_0 = arith.constant 0 : i32
    %c0_i32_1 = arith.constant 0 : i32
    return %c0_i32, %c0_i32_0 : i32, i32
  }
  func.func @transform_6(%arg0: i32) -> (i32, i32) {
    %c0_i32 = arith.constant 0 : i32
    %c0_i32_0 = arith.constant 0 : i32
    %c0_i32_1 = arith.constant 0 : i32
    return %c0_i32, %c0_i32_0 : i32, i32
  }
  func.func @transform_7(%arg0: i32) -> (i32, i32) {
    %c0_i32 = arith.constant 0 : i32
    %c0_i32_0 = arith.constant 0 : i32
    %c0_i32_1 = arith.constant 0 : i32
    return %c0_i32, %c0_i32_0 : i32, i32
  }
}

</mosaic_0001>

<sc_bundles>
// kernel: kernel.11.cloned.1.call-start
scs
__scs_entry_jumppad:
0x0: {  	(pc) =	sbr.rel $0x88, $3  }
0x1: {  	(tag) =	ssettag $0x0;
	lr =	simm.s32 $0x1  }
0x2: {  	[smem:$0x3F98] =	sst lr;
	_ =	strace $0xD0000000  }
0x3: {  	_ = 	snop  }
0x4: {  	_ = 	snop  }
0x5: {  	_ = 	snop  }
0x6: {  	_ = 	snop  }
0x7: {  	_ = 	snop  }
__scs_overlays_trampoline_lowered:
0x8: {  	[smem:$0x3FA7] =	sst s0  }
0x9: {  	[smem:$0x3FA8] =	sst s1  }
0xa: {  	[smem:$0x3FA9] =	sst s2  }
0xb: {  	[smem:$0x3FAA] =	sst s3  }
0xc: {  	[smem:$0x3FAB] =	sst s4  }
0xd: {  	[smem:$0x3FAC] =	sst s5  }
0xe: {  	[smem:$0x3FAD] =	sst s6  }
0xf: {  	[smem:$0x3FAE] =	sst s7  }
0x10: {  	[smem:$0x3FAF] =	sst s8  }
0x11: {  	[smem:$0x3FB0] =	sst s9;
	s0 =	simm.s32 @!p0 $0x0  }
0x12: {  	s1 =	sld [smem:$0x3F96];
	s0 =	simm.s32 @p0 $0x1  }
0x13: {  	[smem:$0x3FB1] =	sst s0;
	s0 =	simm.s32 @!p1 $0x0  }
0x14: {  	s2 =	sld [smem:$0x3F95];
	s0 =	simm.s32 @p1 $0x1  }
0x15: {  	[smem:$0x3FB2] =	sst s0;
	s0 =	simm.s32 @!p2 $0x0  }
0x16: {  	s3 =	sld [smem:$0x3FDB];
	s0 =	simm.s32 @p2 $0x1  }
0x17: {  	s4 =	simm.s32 $0x1BF5;
	[smem:$0x3FB4] =	sst s0  }
0x18: {  	s0 =	sld [smem:$0x3F97];
	_ =	swait.ge [sflag:s4], $0x0  }
0x19: {  	s7 =	sld [smem:$0x3F98]  }
0x1a: {  	s8 =	sadd.s32 $0xFFFFE003, lr  }
0x1b: {  	s9 =	sadd.s32 $0xFFFFFEF7, lr;
	s5 =	simm.s32 $0xFFFFFFFF;
	p2 =	slt.u32 s8, $0xFFFFF086  }
0x1c: {  	p1 =	slt.u32 s9, $0xF7A;
	s5 =	simm.s32 @!p2 $0x0  }
0x1d: {  	s5 =	simm.s32 @p1 $0x1;
	p0 =	seq.s32 s7, s2  }
0x1e: {  	s7 =	smul.u32 @!p0 $0xF7A, s2;
	p2 =	seq.s32 @!p0 s5, $0x0  }
0x1f: {  	s9 =	smul.u32 $0xF7A, s1;
	s8 =	simm.s32 @!p0 $0x1BF5;
	p2 =	por !p2, p0  }
0x20: {  	[sflag:s8] =	ssyncset.s32 @!p0 $0xFFFFF086;
	s6 =	sadd.s32 @!p0 s3, s7;
	s7 =	simm.s32 @!p0 $0x108  }
0x21: {  	s3 =	sadd.s32 s3, s9;
	s6 =	sadd.s32 @!p0 $0x88, s6;
	s7 =	simm.s32 @p2 $0x1082  }
0x22: {  	[simem:s7], [sflag:s8] =	dma.local @!p0 [hbm:s6], $0xF7A  }
0x23: {  	s9 =	sor.u32 $0xD0000000, s2;
	s6 =	simm.s32 $0x108;
	_ =	swait.ge @!p0 [sflag:s8], $0x0  }
0x24: {  	s3 =	sadd.s32 $0x88, s3;
	s6 =	simm.s32 @!p1 $0x1082;
	[sflag:s4] =	ssyncset.s32 $0xFFFFF086  }
0x25: {  	[simem:s6], [sflag:s4] =	dma.local [hbm:s3], $0xF7A  }
0x26: {  	[smem:$0x3F98] =	sst s1;
	(tag) =	ssettag s2;
	_ =	strace s9  }
0x27: {  	s1 =	sld [smem:$0x3FA8]  }
0x28: {  	s2 =	sld [smem:$0x3FA9]  }
0x29: {  	s4 =	sld [smem:$0x3FAB]  }
0x2a: {  	p0 =	seq.s32 s5, $0x0;
	s5 =	sld [smem:$0x3FAC]  }
0x2b: {  	s6 =	sld [smem:$0x3FAD]  }
0x2c: {  	s7 =	sld [smem:$0x3FAE]  }
0x2d: {  	s3 =	simm.s32 $0x108;
	s8 =	sld [smem:$0x3FAF]  }
0x2e: {  	s3 =	simm.s32 @!p0 $0x1082;
	s9 =	sld [smem:$0x3FB0]  }
0x2f: {  	lr =	sadd.s32 s0, s3;
	s0 =	sld [smem:$0x3FA7]  }
0x30: {  	s3 =	sld [smem:$0x3FAA]  }
0x31: {  	[smem:$0x3FB3] =	sst s10  }
0x32: {  	s10 =	sld [smem:$0x3FB1];
	_ =	sdelay $0x3  }
0x33: {  	p0 =	seq.s32 s10, $0x1;
	s10 =	sld [smem:$0x3FB3];
	_ =	sdelay $0x3  }
0x34: {  	[smem:$0x3FB3] =	sst s10  }
0x35: {  	s10 =	sld [smem:$0x3FB2];
	_ =	sdelay $0x3  }
0x36: {  	p1 =	seq.s32 s10, $0x1;
	s10 =	sld [smem:$0x3FB3];
	_ =	sdelay $0x3  }
0x37: {  	[smem:$0x3FB3] =	sst s10  }
0x38: {  	s10 =	sld [smem:$0x3FB4]  }
0x39: {  	_ = 	snop;
	(pc) =	sbr.ind lr, $3  }
0x3a: {  	_ = 	snop  }
0x3b: {  	_ = 	snop  }
0x3c: {  	p2 =	seq.s32 s10, $0x1;
	s10 =	sld [smem:$0x3FB3]  }
0x3d: {  	_ =	shalt  }
0x3e: {  	_ =	shalt  }
0x3f: {  	_ =	shalt  }
0x40: {  	_ =	shalt  }
0x41: {  	_ =	shalt  }
0x42: {  	_ =	shalt  }
0x43: {  	_ =	shalt  }
0x44: {  	_ =	shalt  }
0x45: {  	_ =	shalt  }
0x46: {  	_ =	shalt  }
0x47: {  	_ =	shalt  }
0x48: {  	_ =	shalt  }
0x49: {  	_ =	shalt  }
0x4a: {  	_ =	shalt  }
0x4b: {  	_ =	shalt  }
0x4c: {  	_ =	shalt  }
0x4d: {  	_ =	shalt  }
0x4e: {  	_ =	shalt  }
0x4f: {  	_ =	shalt  }
0x50: {  	_ =	shalt  }
0x51: {  	_ =	shalt  }
0x52: {  	_ =	shalt  }
0x53: {  	_ =	shalt  }
0x54: {  	_ =	shalt  }
0x55: {  	_ =	shalt  }
0x56: {  	_ =	shalt  }
0x57: {  	_ =	shalt  }
0x58: {  	_ =	shalt  }
0x59: {  	_ =	shalt  }
0x5a: {  	_ =	shalt  }
0x5b: {  	_ =	shalt  }
0x5c: {  	_ =	shalt  }
0x5d: {  	_ =	shalt  }
0x5e: {  	_ =	shalt  }
0x5f: {  	_ =	shalt  }
0x60: {  	_ =	shalt  }
0x61: {  	_ =	shalt  }
0x62: {  	_ =	shalt  }
0x63: {  	_ =	shalt  }
0x64: {  	_ =	shalt  }
0x65: {  	_ =	shalt  }
0x66: {  	_ =	shalt  }
0x67: {  	_ =	shalt  }
0x68: {  	_ =	shalt  }
0x69: {  	_ =	shalt  }
0x6a: {  	_ =	shalt  }
0x6b: {  	_ =	shalt  }
0x6c: {  	_ =	shalt  }
0x6d: {  	_ =	shalt  }
0x6e: {  	_ =	shalt  }
0x6f: {  	_ =	shalt  }
0x70: {  	_ =	shalt  }
0x71: {  	_ =	shalt  }
0x72: {  	_ =	shalt  }
0x73: {  	_ =	shalt  }
0x74: {  	_ =	shalt  }
0x75: {  	_ =	shalt  }
0x76: {  	_ =	shalt  }
0x77: {  	_ =	shalt  }
0x78: {  	_ =	shalt  }
0x79: {  	_ =	shalt  }
0x7a: {  	_ =	shalt  }
0x7b: {  	_ =	shalt  }
0x7c: {  	_ =	shalt  }
0x7d: {  	_ =	shalt  }
0x7e: {  	_ =	shalt  }
0x7f: {  	_ =	shalt  }
0x80: {  	_ =	shalt  }
0x81: {  	_ =	shalt  }
0x82: {  	_ =	shalt  }
0x83: {  	_ =	shalt  }
0x84: {  	_ =	shalt  }
0x85: {  	_ =	shalt  }
0x86: {  	_ =	shalt  }
0x87: {  	_ =	shalt  }
.Lfunc_end0:
.L_simem_size_0:
called_computation.1_lowered:
.L_overlay_start_0:
0x88: {  	s2 =	sld [smem:$0x3FD9]  }
0x89: {  	s3 =	sld [smem:$0x3FFE];
	_ =	sdelay $0x1  }
0x8a: {  	s1 =	srdreg.scid  }
0x8b: {  	s0 =	sand.u32 $0x1, s1  }
0x8c: {  	s16 =	sshll.u32 s0, $0xA;
	s2 =	sadd.s32 s3, s2  }
0x8d: {  	s2 =	sadd.s32 s2, s16  }
0x8e: {  	[smem:$0x3FBF] =	sst s2  }
0x8f: {  	_ = 	snop  }
0x90: {  	(tm) =	ssettm $0x1  }
0x91: {  	s17 =	sld [smem:$0x3FFB];
	_ =	sdelay $0x3  }
0x92: {  	_ =	strace s17  }
0x93: {  	s2 =	sld [smem:$0x3FFC];
	_ =	sdelay $0x3  }
0x94: {  	_ =	strace s2  }
0x95: {  	s2 =	sld [smem:$0x3FFD];
	_ =	sdelay $0x3  }
0x96: {  	_ =	strace s2  }
0x97: {  	_ =	strace $0x8FFFFFFF  }
0x98: {  	s18 =	sld [smem:$0x3FDB];
	_ =	sdelay $0x1  }
0x99: {  	s19 =	simm.s32 $_scs_section_size  }
0x9a: {  	s4 =	simm.s32 $_size__tile_overlayer_lowered;
	s5 =	simm.s32 $_tile_overlayer_lowered  }
0x9b: {  	s22 =	simm.s32 $0x1BFF;
	s21 =	sshll.u32 s5, $0x1;
	s2 =	sadd.s32 s19, s18  }
0x9c: {  	s6 =	simm.s32 $0x0;
	s20 =	sshll.u32 s4, $0x1;
	s4 =	sadd.s32 s21, s2  }
0x9d: {  	[timem:s6], [sflag:s22] =	dma.local [hbm:s4], s20  }
0x9e: {  	_ =	swait.ge [sflag:s22], s20  }
0x9f: {  	s3 =	ssub.s32 $0x0, s20;
	[sflag:s22] =	ssyncset.done $0x0  }
0xa0: {  	[sflag:s22] =	ssyncadd.s32 s3;
	_ =	sdelay $0x1  }
0xa1: {  	s23 =	simm.s32 $0x1B8B  }
0xa2: {  	_ =	swait.ge [sflag:s23], $0x1  }
0xa3: {  	[sflag:s23] =	ssyncset.done $0x0  }
0xa4: {  	s25 =	simm.s32 $0x1B8E;
	s24 =	sld [smem:$0x3FFE];
	[sflag:s23] =	ssyncadd.s32 $0xFFFFFFFF  }
0xa5: {  	s26 =	simm.s32 $execute0_lowered;
	[smem:$0x3FD2] =	sst s25  }
0xa6: {  	s4 =	sshll.u32 s26, $0x1;
	_ =	strace $0x80000049;
	[dreg:$0x1] =	wrdreg $0xFFFFFFFF  }
0xa7: {  	s28 =	simm.s32 $_size_execute0_lowered;
	s2 =	sadd.s32 s2, s4;
	[dreg:$0x0] =	wrdreg $0x0  }
0xa8: {  	s4 =	sshll.u32 s28, $0x1;
	[dreg:$0x2] =	wrdreg s2  }
0xa9: {  	[dreg:$0x3] =	wrdreg s4  }
0xaa: {  	[dreg:$0x4] =	wrdreg $0xC0  }
0xab: {  	_ =	task [dreg:s6], $0x5FFFF  }
0xac: {  	[dreg:$0x1] =	wrdreg $0xFFFFFFFF  }
0xad: {  	[dreg:$0x0] =	wrdreg $0x60  }
0xae: {  	[dreg:$0x2] =	wrdreg s24  }
0xaf: {  	[dreg:$0x3] =	wrdreg $0xBEC00  }
0xb0: {  	[dreg:$0x4] =	wrdreg $0x9  }
0xb1: {  	_ =	task.clear_ibuf [dreg:s6], $0x5FFFF;
	_ =	strace $0x90000049  }
0xb2: {  	s29 =	simm.s32 $0x9;
	_ =	strace $0x8000004B  }
0xb3: {  	_ =	swait.ge [sflag:s29], $0x1  }
0xb4: {  	[sflag:s29] =	ssyncadd.s32 $0xFFFFFFFF  }
0xb5: {  	_ =	strace $0x9000004B  }
0xb6: {  	_ =	sfence  }
0xb7: {  	s30 =	sld [smem:$0x0];
	_ =	sdelay $0x2  }
0xb8: {  	s31 =	sshll.u32 s1, $0xD;
	s1 =	sshrl.u32 s1, $0x2  }
0xb9: {  	s3 =	sand.u32 $0x4000, s31;
	s1 =	sadd.s32 s1, s30  }
0xba: {  	s0 =	sor.u32 s3, s0;
	s1 =	sshll.u32 s1, $0x11  }
0xbb: {  	s0 =	sor.u32 s1, s0  }
0xbc: {  	s0 =	sadd.s32 $0x8F2B, s0  }
0xbd: {  	[sflag:s0] =	ssyncadd.remote.s32 $0x1  }
0xbe: {  	_ =	sfence.sel $0xFFFF  }
0xbf: {  	[dreg:$0x0] =	wrdreg $0xFFFFFFFF;
	(pc) =	sbr.abs _section_cstart, $3  }
0xc0: {  	[dreg:$0x1] =	wrdreg $0xFFFFFFFF  }
0xc1: {  	_ =	task.clear_ibuf [dreg:s6], $0x2FFFF;
	_ =	strace $0x9FFFFFFF  }
0xc2: {  	(tm) =	ssettm $0x7FFFFFFF  }
0xc3: {  	_ =	shalt  }
tec
execute0_lowered:
.L_overlay_start_1:
0x0: {  	(tag) =	ssettag $0x1  }
0x1: {  	s6 =	rddreg [dreg:$0x0]  }
0x2: {  	s0 =	srdreg.scid;
	s2 =	rddreg [dreg:$0x1]  }
0x3: {  	s3 =	simm.s32 $0x0;
	s13 =	simm.s32 $0x2760;
	s14 =	simm.s32 $0x70  }
0x4: {  	s15 =	simm.s32 $0x4EC0;
	s16 =	simm.s32 $0x86C0;
	s17 =	simm.s32 $0x2  }
0x5: {  	s18 =	simm.s32 $0x1;
	s19 =	simm.s32 $0x4DE0;
	s20 =	simm.s32 $0x4E50  }
0x6: {  	s22 =	simm.s32 $0x0;
	s5 =	sand.u32 $0x1, s0;
	s0 =	stileid.u32  }
0x7: {  	[smem:$0x7FF] =	sst s3;
	s1 =	sshll.u32 s5, $0x4;
	s7 =	smul.u32 $0x14000, s0  }
0x8: {  	s8 =	smul.u32 $0x140000, s5;
	s10 =	ssub.s32 $0x2, s5;
	s5 =	sadd.s32 $0xC600, s6  }
0x9: {  	s21 =	sshll.u32 s0, $0x6;
	s1 =	sor.u32 s0, s1;
	s11 =	sshrl.u32 s10, $0x1  }
0xa: {  	s4 =	smul.u32 $0x4EC, s1;
	s1 =	rddreg [dreg:$0x2];
	_ =	strace $0x8000004A  }
0xb: {  	s8 =	sadd.s32 s7, s8;
	s10 =	ssub.s32 s10, s11;
	s31 =	sadd.s32 s7, s2  }
0xc: {  	s8 =	sshrl.u32 s8, $0x3;
	s10 =	smax.u32 s10, $0x1;
	s11 =	sshrl.u32 s31, $0x3  }
0xd: {  	s9 =	sadd.s32 s4, s6;
	s4 =	sadd.s32 $0x75600, s6;
	s12 =	sadd.s32 s8, s6  }
0xe: {  	s6 =	sor.u32 $0x1C02, s21;
	s21 =	sor.u32 $0x1C03, s21;
	s7 =	sadd.s32 $0x1B800, s9  }
0xf: {  	s8 =	sadd.s32 $0x11A00, s9;
	s9 =	sadd.s32 $0x9D600, s12;
	s12 =	simm.s32 $0x3  }
.LBB2_1:
0x10: {  	[spmem:s11], [sflag:s6] =	dma.local [hbm:s5], $0x2800  }
0x11: {  	[tilespmem:s3], [sflag:$0x3] =	stream.linear.gather [hbm4b:s7+s3], $0x2760, $0x38;
	[tilespmem:$0x1FEC0] =	vst v63  }
0x12: {  	_ =	swait.ge [sflag:s12], $0x2760  }
0x13: {  	[sflag:s12] =	ssyncset.done $0x0  }
0x14: {  	[sflag:s12] =	ssyncadd.s32 $0xFFFFD8A0  }
0x15: {  	[tilespmem:s13], [sflag:$0x3] =	stream.linear.gather [hbm4b:s8+s3], $0x2760, $0x38;
	[tilespmem:$0x1FEC0] =	vst v63  }
0x16: {  	_ =	swait.ge [sflag:s12], $0x2760  }
0x17: {  	[sflag:s12] =	ssyncset.done $0x0  }
0x18: {  	[sflag:s12] =	ssyncadd.s32 $0xFFFFD8A0  }
0x19: {  	[tilespmem:s15], [sflag:$0x1] =	stream.indirect.gather [hbm4b:s4+s14], $0x80, s3, s14, $0xb8;
	[tilespmem:$0x1FEC0] =	vst v63  }
0x1a: {  	_ = 	snop  }
0x1b: {  	[tilespmem:s16], [sflag:$0x1] =	stream.indirect.gather [hbm4b:s4+s14], $0x80, s14, s14, $0xb8;
	[tilespmem:$0x1FEC0] =	vst v63  }
0x1c: {  	_ =	swait.ge [sflag:s17], $0x2800  }
0x1d: {  	[sflag:s17] =	ssyncset.done $0x0  }
0x1e: {  	[sflag:s17] =	ssyncadd.s32 $0xFFFFD800  }
0x1f: {  	[bflag:$0x0] =	sbarrier.arrive $0xFFFF  }
0x20: {  	_ =	swait.ge [sflag:s18], $0x3800  }
0x21: {  	[sflag:s18] =	ssyncset.done $0x0  }
0x22: {  	s23 =	simm.s32 $0x2760;
	[sflag:s18] =	ssyncadd.s32 $0xFFFFC800  }
0x23: {  	[spmem:s2] =	stream.indirect.scatter.add.f32 [tilespmem:s15], [sflag:$0x3], $0x80, s23, s14, $0xb8;
	[tilespmem:$0x1FEC0] =	vst v63  }
0x24: {  	_ =	swait.ge [sflag:s12], $0x3800  }
0x25: {  	[sflag:s12] =	ssyncset.done $0x0  }
0x26: {  	s30 =	simm.s32 $0xE0;
	[sflag:s12] =	ssyncadd.s32 $0xFFFFC800  }
0x27: {  	[tilespmem:s15], [sflag:$0x1] =	stream.indirect.gather [hbm4b:s4+s14], $0x80, s30, s14, $0xb8;
	[tilespmem:$0x1FEC0] =	vst v63  }
0x28: {  	_ =	swait.ge [sflag:s18], $0x3800  }
0x29: {  	[sflag:s18] =	ssyncset.done $0x0  }
0x2a: {  	s31 =	simm.s32 $0x27D0;
	[sflag:s18] =	ssyncadd.s32 $0xFFFFC800  }
0x2b: {  	[spmem:s2] =	stream.indirect.scatter.add.f32 [tilespmem:s16], [sflag:$0x3], $0x80, s31, s14, $0xb8;
	[tilespmem:$0x1FEC0] =	vst v63  }
0x2c: {  	_ =	swait.ge [sflag:s12], $0x3800  }
0x2d: {  	[sflag:s12] =	ssyncset.done $0x0  }
0x2e: {  	s24 =	simm.s32 $0x150;
	s23 =	simm.s32 $0x380;
	[sflag:s12] =	ssyncadd.s32 $0xFFFFC800  }
.LBB2_2:
0x2f: {  	[tilespmem:s16], [sflag:$0x1] =	stream.indirect.gather [hbm4b:s4+s14], $0x80, s24, s14, $0xb8;
	[tilespmem:$0x1FEC0] =	vst v63  }
0x30: {  	s24 =	smov.u32 s23  }
0x31: {  	p0 =	sne.s32 s23, $0x9680;
	s23 =	sadd.s32 $0x380, s23;
	_ =	swait.ge [sflag:s18], $0x3800  }
0x32: {  	s24 =	sshra.s32 s24, $0x2;
	[sflag:s18] =	ssyncset.done $0x0  }
0x33: {  	s25 =	sadd.s32 $0x2760, s24;
	[sflag:s18] =	ssyncadd.s32 $0xFFFFC800  }
0x34: {  	[spmem:s2] =	stream.indirect.scatter.add.f32 [tilespmem:s15], [sflag:$0x3], $0x80, s25, s14, $0xb8;
	[tilespmem:$0x1FEC0] =	vst v63  }
0x35: {  	_ =	swait.ge [sflag:s12], $0x3800  }
0x36: {  	[sflag:s12] =	ssyncset.done $0x0  }
0x37: {  	s25 =	sadd.s32 $0xE0, s24;
	[sflag:s12] =	ssyncadd.s32 $0xFFFFC800  }
0x38: {  	[tilespmem:s15], [sflag:$0x1] =	stream.indirect.gather [hbm4b:s4+s14], $0x80, s25, s14, $0xb8;
	[tilespmem:$0x1FEC0] =	vst v63  }
0x39: {  	_ =	swait.ge [sflag:s18], $0x3800  }
0x3a: {  	[sflag:s18] =	ssyncset.done $0x0  }
.Ltmp0:
0x3b: {  	s25 =	sadd.s32 $0x27D0, s24;
	[sflag:s18] =	ssyncadd.s32 $0xFFFFC800;
	(pc) =	sbr.rel @p0 .LBB2_2-.Ltmp0, $4  }
0x3c: {  	[spmem:s2] =	stream.indirect.scatter.add.f32 [tilespmem:s16], [sflag:$0x3], $0x80, s25, s14, $0xb8;
	[tilespmem:$0x1FEC0] =	vst v63  }
0x3d: {  	_ =	swait.ge [sflag:s12], $0x3800  }
0x3e: {  	[sflag:s12] =	ssyncset.done $0x0  }
0x3f: {  	s24 =	sadd.s32 $0x150, s24;
	[sflag:s12] =	ssyncadd.s32 $0xFFFFC800  }
0x40: {  	[tilespmem:s16], [sflag:$0x1] =	stream.indirect.gather [hbm4b:s4+s14], $0x80, s24, s14, $0xb8;
	[tilespmem:$0x1FEC0] =	vst v63  }
0x41: {  	_ =	swait.ge [sflag:s18], $0x3800  }
0x42: {  	[sflag:s18] =	ssyncset.done $0x0  }
0x43: {  	[sflag:s18] =	ssyncadd.s32 $0xFFFFC800  }
0x44: {  	[spmem:s2] =	stream.indirect.scatter.add.f32 [tilespmem:s15], [sflag:$0x3], $0x80, s19, s14, $0xb8;
	[tilespmem:$0x1FEC0] =	vst v63  }
0x45: {  	_ =	swait.ge [sflag:s12], $0x3800  }
0x46: {  	[sflag:s12] =	ssyncset.done $0x0  }
0x47: {  	[sflag:s12] =	ssyncadd.s32 $0xFFFFC800  }
0x48: {  	_ =	swait.ge [sflag:s18], $0x3800  }
0x49: {  	[sflag:s18] =	ssyncset.done $0x0  }
0x4a: {  	[sflag:s18] =	ssyncadd.s32 $0xFFFFC800  }
0x4b: {  	[spmem:s2] =	stream.indirect.scatter.add.f32 [tilespmem:s16], [sflag:$0x3], $0x80, s20, s14, $0xb8;
	[tilespmem:$0x1FEC0] =	vst v63  }
0x4c: {  	_ =	swait.ge [sflag:s12], $0x3800  }
0x4d: {  	s22 =	sadd.s32 $0x1, s22;
	[sflag:s12] =	ssyncset.done $0x0  }
0x4e: {  	p0 =	sne.s32 s22, s10;
	[sflag:s12] =	ssyncadd.s32 $0xFFFFC800  }
.Ltmp1:
0x4f: {  	[bflag:$0x0] =	sbarrier.arrive $0xFFFF;
	(pc) =	sbr.rel @p0 .LBB2_1-.Ltmp1, $4  }
0x50: {  	[hbm:s9], [sflag:s21] =	dma.local [spmem:s11], $0x2800  }
0x51: {  	_ =	swait.ge [sflag:s12], $0x2800  }
0x52: {  	[sflag:s12] =	ssyncset.done $0x0  }
0x53: {  	[sflag:s12] =	ssyncadd.s32 $0xFFFFD800  }
0x54: {  	_ =	sfence.sel $0x180000  }
0x55: {  	[bflag:$0x0] =	sbarrier.arrive $0xFFFF  }
0x56: {  	p0 =	sne.s32 s0, $0x0;
	_ =	strace $0x9000004A  }
0x57: {  	s0 =	sadd.s32 @!p0 $0x100000, s1;
	[bflag:$0x2] =	sbarrier.arrive $0xFFFF  }
0x58: {  	[sflag:s0] =	ssyncadd.tile.s32 @!p0 $0x1;
	_ =	shalt  }
.Lfunc_end2:
_tile_overlayer_lowered:
.L_overlay_start_2:
0x59: {  	(tag) =	ssettag $0x2  }
0x5a: {  	s0 =	rddreg [dreg:$0x0];
	s2 =	stileid.u32  }
0x5b: {  	s1 =	rddreg [dreg:$0x1];
	p0 =	sne.s32 s2, $0x0  }
0x5c: {  	s3 =	rddreg [dreg:$0x2];
	[bflag:$0x3] =	sbarrier.arrive $0xFFFF;
	s2 =	simm.s32 @!p0 $0x1C03  }
0x5d: {  	[timem:s3], [sflag:s2] =	dma.local @!p0 [hbm:s0], s1  }
0x5e: {  	s0 =	simm.s32 @!p0 $0x3  }
0x5f: {  	_ =	swait.ge @!p0 [sflag:s0], s1  }
0x60: {  	s1 =	ssub.s32 @!p0 $0x0, s1;
	[sflag:s0] =	ssyncset.done @!p0 $0x0  }
0x61: {  	[sflag:s0] =	ssyncadd.s32 @!p0 s1  }
0x62: {  	[bflag:$0x3] =	sbarrier.arrive $0xFFFF  }
0x63: {  	_ =	shalt  }

// kernel: kernel.14.cloned.1.call-start
scs
__scs_entry_jumppad:
0x0: {  	(pc) =	sbr.rel $0x88, $3  }
0x1: {  	(tag) =	ssettag $0x0;
	lr =	simm.s32 $0x1  }
0x2: {  	[smem:$0x3F98] =	sst lr;
	_ =	strace $0xD0000000  }
0x3: {  	_ = 	snop  }
0x4: {  	_ = 	snop  }
0x5: {  	_ = 	snop  }
0x6: {  	_ = 	snop  }
0x7: {  	_ = 	snop  }
__scs_overlays_trampoline_lowered:
0x8: {  	[smem:$0x3FA7] =	sst s0  }
0x9: {  	[smem:$0x3FA8] =	sst s1  }
0xa: {  	[smem:$0x3FA9] =	sst s2  }
0xb: {  	[smem:$0x3FAA] =	sst s3  }
0xc: {  	[smem:$0x3FAB] =	sst s4  }
0xd: {  	[smem:$0x3FAC] =	sst s5  }
0xe: {  	[smem:$0x3FAD] =	sst s6  }
0xf: {  	[smem:$0x3FAE] =	sst s7  }
0x10: {  	[smem:$0x3FAF] =	sst s8  }
0x11: {  	[smem:$0x3FB0] =	sst s9;
	s0 =	simm.s32 @!p0 $0x0  }
0x12: {  	s1 =	sld [smem:$0x3F96];
	s0 =	simm.s32 @p0 $0x1  }
0x13: {  	[smem:$0x3FB1] =	sst s0;
	s0 =	simm.s32 @!p1 $0x0  }
0x14: {  	s2 =	sld [smem:$0x3F95];
	s0 =	simm.s32 @p1 $0x1  }
0x15: {  	[smem:$0x3FB2] =	sst s0;
	s0 =	simm.s32 @!p2 $0x0  }
0x16: {  	s3 =	sld [smem:$0x3FDB];
	s0 =	simm.s32 @p2 $0x1  }
0x17: {  	s4 =	simm.s32 $0x1BF5;
	[smem:$0x3FB4] =	sst s0  }
0x18: {  	s0 =	sld [smem:$0x3F97];
	_ =	swait.ge [sflag:s4], $0x0  }
0x19: {  	s7 =	sld [smem:$0x3F98]  }
0x1a: {  	s8 =	sadd.s32 $0xFFFFE003, lr  }
0x1b: {  	s9 =	sadd.s32 $0xFFFFFEF7, lr;
	s5 =	simm.s32 $0xFFFFFFFF;
	p2 =	slt.u32 s8, $0xFFFFF086  }
0x1c: {  	p1 =	slt.u32 s9, $0xF7A;
	s5 =	simm.s32 @!p2 $0x0  }
0x1d: {  	s5 =	simm.s32 @p1 $0x1;
	p0 =	seq.s32 s7, s2  }
0x1e: {  	s7 =	smul.u32 @!p0 $0xF7A, s2;
	p2 =	seq.s32 @!p0 s5, $0x0  }
0x1f: {  	s9 =	smul.u32 $0xF7A, s1;
	s8 =	simm.s32 @!p0 $0x1BF5;
	p2 =	por !p2, p0  }
0x20: {  	[sflag:s8] =	ssyncset.s32 @!p0 $0xFFFFF086;
	s6 =	sadd.s32 @!p0 s3, s7;
	s7 =	simm.s32 @!p0 $0x108  }
0x21: {  	s3 =	sadd.s32 s3, s9;
	s6 =	sadd.s32 @!p0 $0x88, s6;
	s7 =	simm.s32 @p2 $0x1082  }
0x22: {  	[simem:s7], [sflag:s8] =	dma.local @!p0 [hbm:s6], $0xF7A  }
0x23: {  	s9 =	sor.u32 $0xD0000000, s2;
	s6 =	simm.s32 $0x108;
	_ =	swait.ge @!p0 [sflag:s8], $0x0  }
0x24: {  	s3 =	sadd.s32 $0x88, s3;
	s6 =	simm.s32 @!p1 $0x1082;
	[sflag:s4] =	ssyncset.s32 $0xFFFFF086  }
0x25: {  	[simem:s6], [sflag:s4] =	dma.local [hbm:s3], $0xF7A  }
0x26: {  	[smem:$0x3F98] =	sst s1;
	(tag) =	ssettag s2;
	_ =	strace s9  }
0x27: {  	s1 =	sld [smem:$0x3FA8]  }
0x28: {  	s2 =	sld [smem:$0x3FA9]  }
0x29: {  	s4 =	sld [smem:$0x3FAB]  }
0x2a: {  	p0 =	seq.s32 s5, $0x0;
	s5 =	sld [smem:$0x3FAC]  }
0x2b: {  	s6 =	sld [smem:$0x3FAD]  }
0x2c: {  	s7 =	sld [smem:$0x3FAE]  }
0x2d: {  	s3 =	simm.s32 $0x108;
	s8 =	sld [smem:$0x3FAF]  }
0x2e: {  	s3 =	simm.s32 @!p0 $0x1082;
	s9 =	sld [smem:$0x3FB0]  }
0x2f: {  	lr =	sadd.s32 s0, s3;
	s0 =	sld [smem:$0x3FA7]  }
0x30: {  	s3 =	sld [smem:$0x3FAA]  }
0x31: {  	[smem:$0x3FB3] =	sst s10  }
0x32: {  	s10 =	sld [smem:$0x3FB1];
	_ =	sdelay $0x3  }
0x33: {  	p0 =	seq.s32 s10, $0x1;
	s10 =	sld [smem:$0x3FB3];
	_ =	sdelay $0x3  }
0x34: {  	[smem:$0x3FB3] =	sst s10  }
0x35: {  	s10 =	sld [smem:$0x3FB2];
	_ =	sdelay $0x3  }
0x36: {  	p1 =	seq.s32 s10, $0x1;
	s10 =	sld [smem:$0x3FB3];
	_ =	sdelay $0x3  }
0x37: {  	[smem:$0x3FB3] =	sst s10  }
0x38: {  	s10 =	sld [smem:$0x3FB4]  }
0x39: {  	_ = 	snop;
	(pc) =	sbr.ind lr, $3  }
0x3a: {  	_ = 	snop  }
0x3b: {  	_ = 	snop  }
0x3c: {  	p2 =	seq.s32 s10, $0x1;
	s10 =	sld [smem:$0x3FB3]  }
0x3d: {  	_ =	shalt  }
0x3e: {  	_ =	shalt  }
0x3f: {  	_ =	shalt  }
0x40: {  	_ =	shalt  }
0x41: {  	_ =	shalt  }
0x42: {  	_ =	shalt  }
0x43: {  	_ =	shalt  }
0x44: {  	_ =	shalt  }
0x45: {  	_ =	shalt  }
0x46: {  	_ =	shalt  }
0x47: {  	_ =	shalt  }
0x48: {  	_ =	shalt  }
0x49: {  	_ =	shalt  }
0x4a: {  	_ =	shalt  }
0x4b: {  	_ =	shalt  }
0x4c: {  	_ =	shalt  }
0x4d: {  	_ =	shalt  }
0x4e: {  	_ =	shalt  }
0x4f: {  	_ =	shalt  }
0x50: {  	_ =	shalt  }
0x51: {  	_ =	shalt  }
0x52: {  	_ =	shalt  }
0x53: {  	_ =	shalt  }
0x54: {  	_ =	shalt  }
0x55: {  	_ =	shalt  }
0x56: {  	_ =	shalt  }
0x57: {  	_ =	shalt  }
0x58: {  	_ =	shalt  }
0x59: {  	_ =	shalt  }
0x5a: {  	_ =	shalt  }
0x5b: {  	_ =	shalt  }
0x5c: {  	_ =	shalt  }
0x5d: {  	_ =	shalt  }
0x5e: {  	_ =	shalt  }
0x5f: {  	_ =	shalt  }
0x60: {  	_ =	shalt  }
0x61: {  	_ =	shalt  }
0x62: {  	_ =	shalt  }
0x63: {  	_ =	shalt  }
0x64: {  	_ =	shalt  }
0x65: {  	_ =	shalt  }
0x66: {  	_ =	shalt  }
0x67: {  	_ =	shalt  }
0x68: {  	_ =	shalt  }
0x69: {  	_ =	shalt  }
0x6a: {  	_ =	shalt  }
0x6b: {  	_ =	shalt  }
0x6c: {  	_ =	shalt  }
0x6d: {  	_ =	shalt  }
0x6e: {  	_ =	shalt  }
0x6f: {  	_ =	shalt  }
0x70: {  	_ =	shalt  }
0x71: {  	_ =	shalt  }
0x72: {  	_ =	shalt  }
0x73: {  	_ =	shalt  }
0x74: {  	_ =	shalt  }
0x75: {  	_ =	shalt  }
0x76: {  	_ =	shalt  }
0x77: {  	_ =	shalt  }
0x78: {  	_ =	shalt  }
0x79: {  	_ =	shalt  }
0x7a: {  	_ =	shalt  }
0x7b: {  	_ =	shalt  }
0x7c: {  	_ =	shalt  }
0x7d: {  	_ =	shalt  }
0x7e: {  	_ =	shalt  }
0x7f: {  	_ =	shalt  }
0x80: {  	_ =	shalt  }
0x81: {  	_ =	shalt  }
0x82: {  	_ =	shalt  }
0x83: {  	_ =	shalt  }
0x84: {  	_ =	shalt  }
0x85: {  	_ =	shalt  }
0x86: {  	_ =	shalt  }
0x87: {  	_ =	shalt  }
.Lfunc_end0:
.L_simem_size_0:
called_computation.2_lowered:
.L_overlay_start_0:
0x88: {  	s2 =	sld [smem:$0x3FD9]  }
0x89: {  	s3 =	sld [smem:$0x3FFE];
	_ =	sdelay $0x1  }
0x8a: {  	s1 =	srdreg.scid  }
0x8b: {  	s0 =	sand.u32 $0x1, s1  }
0x8c: {  	s16 =	sshll.u32 s0, $0xA;
	s2 =	sadd.s32 s3, s2  }
0x8d: {  	s2 =	sadd.s32 s2, s16  }
0x8e: {  	[smem:$0x3FBF] =	sst s2  }
0x8f: {  	_ = 	snop  }
0x90: {  	(tm) =	ssettm $0x1  }
0x91: {  	s17 =	sld [smem:$0x3FFB];
	_ =	sdelay $0x3  }
0x92: {  	_ =	strace s17  }
0x93: {  	s2 =	sld [smem:$0x3FFC];
	_ =	sdelay $0x3  }
0x94: {  	_ =	strace s2  }
0x95: {  	s2 =	sld [smem:$0x3FFD];
	_ =	sdelay $0x3  }
0x96: {  	_ =	strace s2  }
0x97: {  	_ =	strace $0x8FFFFFFF  }
0x98: {  	s18 =	sld [smem:$0x3FDB];
	_ =	sdelay $0x1  }
0x99: {  	s19 =	simm.s32 $_scs_section_size  }
0x9a: {  	s4 =	simm.s32 $_size__tile_overlayer_lowered;
	s5 =	simm.s32 $_tile_overlayer_lowered  }
0x9b: {  	s22 =	simm.s32 $0x1BFF;
	s21 =	sshll.u32 s5, $0x1;
	s2 =	sadd.s32 s19, s18  }
0x9c: {  	s6 =	simm.s32 $0x0;
	s20 =	sshll.u32 s4, $0x1;
	s4 =	sadd.s32 s21, s2  }
0x9d: {  	[timem:s6], [sflag:s22] =	dma.local [hbm:s4], s20  }
0x9e: {  	_ =	swait.ge [sflag:s22], s20  }
0x9f: {  	s3 =	ssub.s32 $0x0, s20;
	[sflag:s22] =	ssyncset.done $0x0  }
0xa0: {  	[sflag:s22] =	ssyncadd.s32 s3;
	_ =	sdelay $0x1  }
0xa1: {  	s23 =	simm.s32 $0x1B8B  }
0xa2: {  	_ =	swait.ge [sflag:s23], $0x1  }
0xa3: {  	[sflag:s23] =	ssyncset.done $0x0  }
0xa4: {  	s25 =	simm.s32 $0x1B8E;
	s24 =	sld [smem:$0x3FFE];
	[sflag:s23] =	ssyncadd.s32 $0xFFFFFFFF  }
0xa5: {  	s26 =	simm.s32 $execute0_lowered;
	[smem:$0x3FD2] =	sst s25  }
0xa6: {  	s4 =	sshll.u32 s26, $0x1;
	_ =	strace $0x8000004C;
	[dreg:$0x1] =	wrdreg $0xFFFFFFFF  }
0xa7: {  	s28 =	simm.s32 $_size_execute0_lowered;
	s2 =	sadd.s32 s2, s4;
	[dreg:$0x0] =	wrdreg $0x0  }
0xa8: {  	s4 =	sshll.u32 s28, $0x1;
	[dreg:$0x2] =	wrdreg s2  }
0xa9: {  	[dreg:$0x3] =	wrdreg s4  }
0xaa: {  	[dreg:$0x4] =	wrdreg $0xC0  }
0xab: {  	_ =	task [dreg:s6], $0x5FFFF  }
0xac: {  	[dreg:$0x1] =	wrdreg $0xFFFFFFFF  }
0xad: {  	[dreg:$0x0] =	wrdreg $0x60  }
0xae: {  	[dreg:$0x2] =	wrdreg s24  }
0xaf: {  	[dreg:$0x3] =	wrdreg $0xCF000  }
0xb0: {  	[dreg:$0x4] =	wrdreg $0x9  }
0xb1: {  	_ =	task.clear_ibuf [dreg:s6], $0x5FFFF;
	_ =	strace $0x9000004C  }
0xb2: {  	s29 =	simm.s32 $0x9;
	_ =	strace $0x8000004E  }
0xb3: {  	_ =	swait.ge [sflag:s29], $0x1  }
0xb4: {  	[sflag:s29] =	ssyncadd.s32 $0xFFFFFFFF  }
0xb5: {  	_ =	strace $0x9000004E  }
0xb6: {  	_ =	sfence  }
0xb7: {  	s30 =	sld [smem:$0x0];
	_ =	sdelay $0x2  }
0xb8: {  	s31 =	sshll.u32 s1, $0xD;
	s1 =	sshrl.u32 s1, $0x2  }
0xb9: {  	s3 =	sand.u32 $0x4000, s31;
	s1 =	sadd.s32 s1, s30  }
0xba: {  	s0 =	sor.u32 s3, s0;
	s1 =	sshll.u32 s1, $0x11  }
0xbb: {  	s0 =	sor.u32 s1, s0  }
0xbc: {  	s0 =	sadd.s32 $0x8F2B, s0  }
0xbd: {  	[sflag:s0] =	ssyncadd.remote.s32 $0x1  }
0xbe: {  	_ =	sfence.sel $0xFFFF  }
0xbf: {  	[dreg:$0x0] =	wrdreg $0xFFFFFFFF;
	(pc) =	sbr.abs _section_cstart, $3  }
0xc0: {  	[dreg:$0x1] =	wrdreg $0xFFFFFFFF  }
0xc1: {  	_ =	task.clear_ibuf [dreg:s6], $0x2FFFF;
	_ =	strace $0x9FFFFFFF  }
0xc2: {  	(tm) =	ssettm $0x7FFFFFFF  }
0xc3: {  	_ =	shalt  }
tec
execute0_lowered:
.L_overlay_start_1:
0x0: {  	(tag) =	ssettag $0x1  }
0x1: {  	s0 =	srdreg.scid;
	s6 =	rddreg [dreg:$0x0]  }
0x2: {  	s9 =	stileid.u32;
	s2 =	rddreg [dreg:$0x1];
	s3 =	simm.s32 $0x0  }
0x3: {  	s13 =	simm.s32 $0x3;
	s15 =	simm.s32 $0x80;
	s16 =	simm.s32 $0x4F00  }
0x4: {  	s17 =	simm.s32 $0x6F00;
	s19 =	simm.s32 $0x8F00;
	s21 =	simm.s32 $0xAF00  }
0x5: {  	s22 =	simm.s32 $0x2;
	s23 =	simm.s32 $0x1;
	s28 =	simm.s32 $0x2680  }
0x6: {  	s29 =	simm.s32 $0x4C80;
	s30 =	simm.s32 $0x2700;
	s31 =	simm.s32 $0x4D00  }
0x7: {  	s14 =	simm.s32 $0x4E80;
	s18 =	simm.s32 $0x0;
	s0 =	sand.u32 $0x1, s0  }
0x8: {  	s7 =	smul.u32 $0xA000, s9;
	[smem:$0x7FF] =	sst s3;
	s4 =	sadd.s32 $0xC600, s6  }
0x9: {  	s1 =	sshll.u32 s0, $0x4;
	s5 =	smul.u32 $0xA0000, s0;
	s0 =	ssub.s32 $0x2, s0  }
0xa: {  	_ =	strace $0x8000004D;
	s1 =	sor.u32 s9, s1;
	s26 =	sshrl.u32 s0, $0x1  }
0xb: {  	s12 =	sadd.s32 s7, s2;
	s1 =	smul.u32 $0x4F0, s1;
	s8 =	sadd.s32 s7, s5  }
0xc: {  	s5 =	sadd.s32 $0x20600, s6;
	s0 =	ssub.s32 s0, s26;
	s12 =	sshrl.u32 s12, $0x3  }
0xd: {  	s26 =	simm.s32 $0x4C00;
	s8 =	sshrl.u32 s8, $0x3;
	s11 =	smax.u32 s0, $0x1  }
0xe: {  	s1 =	sadd.s32 s1, s6;
	s10 =	sadd.s32 s8, s6;
	s6 =	sshll.u32 s9, $0x6  }
0xf: {  	s0 =	simm.s32 $0x4E00;
	s7 =	sor.u32 $0x1C02, s6;
	s8 =	sadd.s32 $0xED600, s1  }
0x10: {  	s9 =	sadd.s32 $0x2800, s1;
	s10 =	sadd.s32 $0x75600, s10;
	s1 =	simm.s32 $0x4D80  }
.LBB2_1:
0x11: {  	[spmem:s12], [sflag:s7] =	dma.local [hbm:s5], $0x1400  }
0x12: {  	[tilespmem:s3], [sflag:$0x3] =	stream.linear.gather [hbm4b:s8+s3], $0x2780, $0x38;
	[tilespmem:$0x16F00] =	vst v63  }
0x13: {  	_ =	swait.ge [sflag:s13], $0x2780  }
0x14: {  	[sflag:s13] =	ssyncset.done $0x0  }
0x15: {  	s20 =	simm.s32 $0x2780;
	[sflag:s13] =	ssyncadd.s32 $0xFFFFD880  }
0x16: {  	[tilespmem:s20], [sflag:$0x3] =	stream.linear.gather [hbm4b:s9+s3], $0x2780, $0x38;
	[tilespmem:$0x16F00] =	vst v63  }
0x17: {  	_ =	swait.ge [sflag:s13], $0x2780  }
0x18: {  	[sflag:s13] =	ssyncset.done $0x0  }
0x19: {  	[sflag:s13] =	ssyncadd.s32 $0xFFFFD880  }
0x1a: {  	[tilespmem:s16], [sflag:$0x1] =	stream.indirect.gather [hbm4b:s4+s15], $0x40, s3, s15, $0xb8;
	[tilespmem:$0x16F00] =	vst v63  }
0x1b: {  	_ = 	snop  }
0x1c: {  	[tilespmem:s17], [sflag:$0x1] =	stream.indirect.gather [hbm4b:s4+s15], $0x40, s15, s15, $0xb8;
	[tilespmem:$0x16F00] =	vst v63  }
0x1d: {  	s25 =	simm.s32 $0x100  }
0x1e: {  	[tilespmem:s19], [sflag:$0x1] =	stream.indirect.gather [hbm4b:s4+s15], $0x40, s25, s15, $0xb8;
	[tilespmem:$0x16F00] =	vst v63  }
0x1f: {  	s24 =	simm.s32 $0x180  }
0x20: {  	[tilespmem:s21], [sflag:$0x1] =	stream.indirect.gather [hbm4b:s4+s15], $0x40, s24, s15, $0xb8;
	[tilespmem:$0x16F00] =	vst v63  }
0x21: {  	_ =	swait.ge [sflag:s22], $0x1400  }
0x22: {  	[sflag:s22] =	ssyncset.done $0x0  }
0x23: {  	[sflag:s22] =	ssyncadd.s32 $0xFFFFEC00  }
0x24: {  	[bflag:$0x0] =	sbarrier.arrive $0xFFFF  }
0x25: {  	_ =	swait.ge [sflag:s23], $0x2000  }
0x26: {  	[sflag:s23] =	ssyncset.done $0x0  }
0x27: {  	s25 =	simm.s32 $0x2780;
	[sflag:s23] =	ssyncadd.s32 $0xFFFFE000  }
0x28: {  	[spmem:s2] =	stream.indirect.scatter.add.f32 [tilespmem:s16], [sflag:$0x3], $0x40, s25, s15, $0xb8;
	[tilespmem:$0x16F00] =	vst v63  }
0x29: {  	_ =	swait.ge [sflag:s13], $0x2000  }
0x2a: {  	[sflag:s13] =	ssyncset.done $0x0  }
0x2b: {  	s24 =	simm.s32 $0x200;
	[sflag:s13] =	ssyncadd.s32 $0xFFFFE000  }
0x2c: {  	[tilespmem:s16], [sflag:$0x1] =	stream.indirect.gather [hbm4b:s4+s15], $0x40, s24, s15, $0xb8;
	[tilespmem:$0x16F00] =	vst v63  }
0x2d: {  	_ =	swait.ge [sflag:s23], $0x2000  }
0x2e: {  	[sflag:s23] =	ssyncset.done $0x0  }
0x2f: {  	s25 =	simm.s32 $0x2800;
	[sflag:s23] =	ssyncadd.s32 $0xFFFFE000  }
0x30: {  	[spmem:s2] =	stream.indirect.scatter.add.f32 [tilespmem:s17], [sflag:$0x3], $0x40, s25, s15, $0xb8;
	[tilespmem:$0x16F00] =	vst v63  }
0x31: {  	_ =	swait.ge [sflag:s13], $0x2000  }
0x32: {  	[sflag:s13] =	ssyncset.done $0x0  }
0x33: {  	s24 =	simm.s32 $0x280;
	[sflag:s13] =	ssyncadd.s32 $0xFFFFE000  }
0x34: {  	[tilespmem:s17], [sflag:$0x1] =	stream.indirect.gather [hbm4b:s4+s15], $0x40, s24, s15, $0xb8;
	[tilespmem:$0x16F00] =	vst v63  }
0x35: {  	_ =	swait.ge [sflag:s23], $0x2000  }
0x36: {  	[sflag:s23] =	ssyncset.done $0x0  }
0x37: {  	s25 =	simm.s32 $0x2880;
	[sflag:s23] =	ssyncadd.s32 $0xFFFFE000  }
0x38: {  	[spmem:s2] =	stream.indirect.scatter.add.f32 [tilespmem:s19], [sflag:$0x3], $0x40, s25, s15, $0xb8;
	[tilespmem:$0x16F00] =	vst v63  }
0x39: {  	_ =	swait.ge [sflag:s13], $0x2000  }
0x3a: {  	[sflag:s13] =	ssyncset.done $0x0  }
0x3b: {  	s24 =	simm.s32 $0x300;
	[sflag:s13] =	ssyncadd.s32 $0xFFFFE000  }
0x3c: {  	[tilespmem:s19], [sflag:$0x1] =	stream.indirect.gather [hbm4b:s4+s15], $0x40, s24, s15, $0xb8;
	[tilespmem:$0x16F00] =	vst v63  }
0x3d: {  	_ =	swait.ge [sflag:s23], $0x2000  }
0x3e: {  	[sflag:s23] =	ssyncset.done $0x0  }
0x3f: {  	s25 =	simm.s32 $0x2900;
	[sflag:s23] =	ssyncadd.s32 $0xFFFFE000  }
0x40: {  	[spmem:s2] =	stream.indirect.scatter.add.f32 [tilespmem:s21], [sflag:$0x3], $0x40, s25, s15, $0xb8;
	[tilespmem:$0x16F00] =	vst v63  }
0x41: {  	_ =	swait.ge [sflag:s13], $0x2000  }
0x42: {  	[sflag:s13] =	ssyncset.done $0x0  }
0x43: {  	s20 =	simm.s32 $0x800;
	s24 =	simm.s32 $0x380;
	[sflag:s13] =	ssyncadd.s32 $0xFFFFE000  }
.LBB2_2:
0x44: {  	[tilespmem:s21], [sflag:$0x1] =	stream.indirect.gather [hbm4b:s4+s15], $0x40, s24, s15, $0xb8;
	[tilespmem:$0x16F00] =	vst v63  }
0x45: {  	s24 =	smov.u32 s20  }
0x46: {  	p0 =	sne.s32 s20, $0x8800;
	s20 =	sadd.s32 $0x800, s20;
	_ =	swait.ge [sflag:s23], $0x2000  }
0x47: {  	s24 =	sshra.s32 s24, $0x2;
	[sflag:s23] =	ssyncset.done $0x0  }
0x48: {  	s25 =	sadd.s32 $0x2780, s24;
	[sflag:s23] =	ssyncadd.s32 $0xFFFFE000  }
0x49: {  	[spmem:s2] =	stream.indirect.scatter.add.f32 [tilespmem:s16], [sflag:$0x3], $0x40, s25, s15, $0xb8;
	[tilespmem:$0x16F00] =	vst v63  }
0x4a: {  	_ =	swait.ge [sflag:s13], $0x2000  }
0x4b: {  	[sflag:s13] =	ssyncset.done $0x0  }
0x4c: {  	s25 =	sadd.s32 $0x200, s24;
	[sflag:s13] =	ssyncadd.s32 $0xFFFFE000  }
0x4d: {  	[tilespmem:s16], [sflag:$0x1] =	stream.indirect.gather [hbm4b:s4+s15], $0x40, s25, s15, $0xb8;
	[tilespmem:$0x16F00] =	vst v63  }
0x4e: {  	_ =	swait.ge [sflag:s23], $0x2000  }
0x4f: {  	[sflag:s23] =	ssyncset.done $0x0  }
0x50: {  	s25 =	sadd.s32 $0x2800, s24;
	[sflag:s23] =	ssyncadd.s32 $0xFFFFE000  }
0x51: {  	[spmem:s2] =	stream.indirect.scatter.add.f32 [tilespmem:s17], [sflag:$0x3], $0x40, s25, s15, $0xb8;
	[tilespmem:$0x16F00] =	vst v63  }
0x52: {  	_ =	swait.ge [sflag:s13], $0x2000  }
0x53: {  	[sflag:s13] =	ssyncset.done $0x0  }
0x54: {  	s25 =	sadd.s32 $0x280, s24;
	[sflag:s13] =	ssyncadd.s32 $0xFFFFE000  }
0x55: {  	[tilespmem:s17], [sflag:$0x1] =	stream.indirect.gather [hbm4b:s4+s15], $0x40, s25, s15, $0xb8;
	[tilespmem:$0x16F00] =	vst v63  }
0x56: {  	_ =	swait.ge [sflag:s23], $0x2000  }
0x57: {  	[sflag:s23] =	ssyncset.done $0x0  }
0x58: {  	s25 =	sadd.s32 $0x2880, s24;
	[sflag:s23] =	ssyncadd.s32 $0xFFFFE000  }
0x59: {  	[spmem:s2] =	stream.indirect.scatter.add.f32 [tilespmem:s19], [sflag:$0x3], $0x40, s25, s15, $0xb8;
	[tilespmem:$0x16F00] =	vst v63  }
0x5a: {  	_ =	swait.ge [sflag:s13], $0x2000  }
0x5b: {  	[sflag:s13] =	ssyncset.done $0x0  }
0x5c: {  	s25 =	sadd.s32 $0x300, s24;
	[sflag:s13] =	ssyncadd.s32 $0xFFFFE000  }
0x5d: {  	[tilespmem:s19], [sflag:$0x1] =	stream.indirect.gather [hbm4b:s4+s15], $0x40, s25, s15, $0xb8;
	[tilespmem:$0x16F00] =	vst v63  }
0x5e: {  	_ =	swait.ge [sflag:s23], $0x2000  }
0x5f: {  	[sflag:s23] =	ssyncset.done $0x0  }
.Ltmp0:
0x60: {  	s25 =	sadd.s32 $0x2900, s24;
	[sflag:s23] =	ssyncadd.s32 $0xFFFFE000;
	(pc) =	sbr.rel @p0 .LBB2_2-.Ltmp0, $4  }
0x61: {  	[spmem:s2] =	stream.indirect.scatter.add.f32 [tilespmem:s21], [sflag:$0x3], $0x40, s25, s15, $0xb8;
	[tilespmem:$0x16F00] =	vst v63  }
0x62: {  	_ =	swait.ge [sflag:s13], $0x2000  }
0x63: {  	[sflag:s13] =	ssyncset.done $0x0  }
0x64: {  	s24 =	sadd.s32 $0x380, s24;
	[sflag:s13] =	ssyncadd.s32 $0xFFFFE000  }
0x65: {  	[tilespmem:s21], [sflag:$0x1] =	stream.indirect.gather [hbm4b:s4+s15], $0x40, s24, s15, $0xb8;
	[tilespmem:$0x16F00] =	vst v63  }
0x66: {  	_ =	swait.ge [sflag:s23], $0x2000  }
0x67: {  	[sflag:s23] =	ssyncset.done $0x0  }
0x68: {  	s20 =	simm.s32 $0x4B80;
	[sflag:s23] =	ssyncadd.s32 $0xFFFFE000  }
0x69: {  	[spmem:s2] =	stream.indirect.scatter.add.f32 [tilespmem:s16], [sflag:$0x3], $0x40, s20, s15, $0xb8;
	[tilespmem:$0x16F00] =	vst v63  }
0x6a: {  	_ =	swait.ge [sflag:s13], $0x2000  }
0x6b: {  	[sflag:s13] =	ssyncset.done $0x0  }
0x6c: {  	s24 =	simm.s32 $0x2600;
	[sflag:s13] =	ssyncadd.s32 $0xFFFFE000  }
0x6d: {  	[tilespmem:s16], [sflag:$0x1] =	stream.indirect.gather [hbm4b:s4+s15], $0x40, s24, s15, $0xb8;
	[tilespmem:$0x16F00] =	vst v63  }
0x6e: {  	_ =	swait.ge [sflag:s23], $0x2000  }
0x6f: {  	[sflag:s23] =	ssyncset.done $0x0  }
0x70: {  	[sflag:s23] =	ssyncadd.s32 $0xFFFFE000  }
0x71: {  	[spmem:s2] =	stream.indirect.scatter.add.f32 [tilespmem:s17], [sflag:$0x3], $0x40, s26, s15, $0xb8;
	[tilespmem:$0x16F00] =	vst v63  }
0x72: {  	_ =	swait.ge [sflag:s13], $0x2000  }
0x73: {  	[sflag:s13] =	ssyncset.done $0x0  }
0x74: {  	[sflag:s13] =	ssyncadd.s32 $0xFFFFE000  }
0x75: {  	[tilespmem:s17], [sflag:$0x1] =	stream.indirect.gather [hbm4b:s4+s15], $0x40, s28, s15, $0xb8;
	[tilespmem:$0x16F00] =	vst v63  }
0x76: {  	_ =	swait.ge [sflag:s23], $0x2000  }
0x77: {  	[sflag:s23] =	ssyncset.done $0x0  }
0x78: {  	[sflag:s23] =	ssyncadd.s32 $0xFFFFE000  }
0x79: {  	[spmem:s2] =	stream.indirect.scatter.add.f32 [tilespmem:s19], [sflag:$0x3], $0x40, s29, s15, $0xb8;
	[tilespmem:$0x16F00] =	vst v63  }
0x7a: {  	_ =	swait.ge [sflag:s13], $0x2000  }
0x7b: {  	[sflag:s13] =	ssyncset.done $0x0  }
0x7c: {  	[sflag:s13] =	ssyncadd.s32 $0xFFFFE000  }
0x7d: {  	[tilespmem:s19], [sflag:$0x1] =	stream.indirect.gather [hbm4b:s4+s15], $0x40, s30, s15, $0xb8;
	[tilespmem:$0x16F00] =	vst v63  }
0x7e: {  	_ =	swait.ge [sflag:s23], $0x2000  }
0x7f: {  	[sflag:s23] =	ssyncset.done $0x0  }
0x80: {  	[sflag:s23] =	ssyncadd.s32 $0xFFFFE000  }
0x81: {  	[spmem:s2] =	stream.indirect.scatter.add.f32 [tilespmem:s21], [sflag:$0x3], $0x40, s31, s15, $0xb8;
	[tilespmem:$0x16F00] =	vst v63  }
0x82: {  	_ =	swait.ge [sflag:s13], $0x2000  }
0x83: {  	[sflag:s13] =	ssyncset.done $0x0  }
0x84: {  	[sflag:s13] =	ssyncadd.s32 $0xFFFFE000  }
0x85: {  	_ =	swait.ge [sflag:s23], $0x2000  }
0x86: {  	[sflag:s23] =	ssyncset.done $0x0  }
0x87: {  	[sflag:s23] =	ssyncadd.s32 $0xFFFFE000  }
0x88: {  	[spmem:s2] =	stream.indirect.scatter.add.f32 [tilespmem:s16], [sflag:$0x3], $0x40, s1, s15, $0xb8;
	[tilespmem:$0x16F00] =	vst v63  }
0x89: {  	_ =	swait.ge [sflag:s13], $0x2000  }
0x8a: {  	[sflag:s13] =	ssyncset.done $0x0  }
0x8b: {  	[sflag:s13] =	ssyncadd.s32 $0xFFFFE000  }
0x8c: {  	_ =	swait.ge [sflag:s23], $0x2000  }
0x8d: {  	[sflag:s23] =	ssyncset.done $0x0  }
0x8e: {  	[sflag:s23] =	ssyncadd.s32 $0xFFFFE000  }
0x8f: {  	[spmem:s2] =	stream.indirect.scatter.add.f32 [tilespmem:s17], [sflag:$0x3], $0x40, s0, s15, $0xb8;
	[tilespmem:$0x16F00] =	vst v63  }
0x90: {  	_ =	swait.ge [sflag:s13], $0x2000  }
0x91: {  	[sflag:s13] =	ssyncset.done $0x0  }
0x92: {  	[sflag:s13] =	ssyncadd.s32 $0xFFFFE000  }
0x93: {  	_ =	swait.ge [sflag:s23], $0x2000  }
0x94: {  	[sflag:s23] =	ssyncset.done $0x0  }
0x95: {  	[sflag:s23] =	ssyncadd.s32 $0xFFFFE000  }
0x96: {  	[spmem:s2] =	stream.indirect.scatter.add.f32 [tilespmem:s19], [sflag:$0x3], $0x40, s14, s15, $0xb8;
	[tilespmem:$0x16F00] =	vst v63  }
0x97: {  	_ =	swait.ge [sflag:s13], $0x2000  }
0x98: {  	s18 =	sadd.s32 $0x1, s18;
	[sflag:s13] =	ssyncset.done $0x0  }
0x99: {  	p0 =	sne.s32 s18, s11;
	[sflag:s13] =	ssyncadd.s32 $0xFFFFE000  }
.Ltmp1:
0x9a: {  	s25 =	sor.u32 $0x1C03, s6;
	[bflag:$0x0] =	sbarrier.arrive $0xFFFF;
	(pc) =	sbr.rel @p0 .LBB2_1-.Ltmp1, $4  }
0x9b: {  	[hbm:s10], [sflag:s25] =	dma.local [spmem:s12], $0x1400  }
0x9c: {  	_ =	swait.ge [sflag:s13], $0x1400  }
0x9d: {  	[sflag:s13] =	ssyncset.done $0x0  }
0x9e: {  	[sflag:s13] =	ssyncadd.s32 $0xFFFFEC00  }
0x9f: {  	_ =	sfence.sel $0x180000  }
0xa0: {  	[bflag:$0x0] =	sbarrier.arrive $0xFFFF  }
0xa1: {  	_ =	strace $0x9000004D  }
0xa2: {  	s0 =	stileid.u32;
	[bflag:$0x2] =	sbarrier.arrive $0xFFFF  }
0xa3: {  	p0 =	sne.s32 s0, $0x0;
	s0 =	rddreg [dreg:$0x2]  }
0xa4: {  	s0 =	sadd.s32 @!p0 $0x100000, s0  }
0xa5: {  	[sflag:s0] =	ssyncadd.tile.s32 @!p0 $0x1;
	_ =	shalt  }
.Lfunc_end2:
_tile_overlayer_lowered:
.L_overlay_start_2:
0xa6: {  	(tag) =	ssettag $0x2  }
0xa7: {  	s0 =	rddreg [dreg:$0x0];
	s2 =	stileid.u32  }
0xa8: {  	s1 =	rddreg [dreg:$0x1];
	p0 =	sne.s32 s2, $0x0  }
0xa9: {  	s3 =	rddreg [dreg:$0x2];
	[bflag:$0x3] =	sbarrier.arrive $0xFFFF;
	s2 =	simm.s32 @!p0 $0x1C03  }
0xaa: {  	[timem:s3], [sflag:s2] =	dma.local @!p0 [hbm:s0], s1  }
0xab: {  	s0 =	simm.s32 @!p0 $0x3  }
0xac: {  	_ =	swait.ge @!p0 [sflag:s0], s1  }
0xad: {  	s1 =	ssub.s32 @!p0 $0x0, s1;
	[sflag:s0] =	ssyncset.done @!p0 $0x0  }
0xae: {  	[sflag:s0] =	ssyncadd.s32 @!p0 s1  }
0xaf: {  	[bflag:$0x3] =	sbarrier.arrive $0xFFFF  }
0xb0: {  	_ =	shalt  }

// kernel: kernel.8.cloned.1.call-start
scs
__scs_entry_jumppad:
0x0: {  	(pc) =	sbr.rel $0x88, $3  }
0x1: {  	(tag) =	ssettag $0x0;
	lr =	simm.s32 $0x1  }
0x2: {  	[smem:$0x3F98] =	sst lr;
	_ =	strace $0xD0000000  }
0x3: {  	_ = 	snop  }
0x4: {  	_ = 	snop  }
0x5: {  	_ = 	snop  }
0x6: {  	_ = 	snop  }
0x7: {  	_ = 	snop  }
__scs_overlays_trampoline_lowered:
0x8: {  	[smem:$0x3FA7] =	sst s0  }
0x9: {  	[smem:$0x3FA8] =	sst s1  }
0xa: {  	[smem:$0x3FA9] =	sst s2  }
0xb: {  	[smem:$0x3FAA] =	sst s3  }
0xc: {  	[smem:$0x3FAB] =	sst s4  }
0xd: {  	[smem:$0x3FAC] =	sst s5  }
0xe: {  	[smem:$0x3FAD] =	sst s6  }
0xf: {  	[smem:$0x3FAE] =	sst s7  }
0x10: {  	[smem:$0x3FAF] =	sst s8  }
0x11: {  	[smem:$0x3FB0] =	sst s9;
	s0 =	simm.s32 @!p0 $0x0  }
0x12: {  	s1 =	sld [smem:$0x3F96];
	s0 =	simm.s32 @p0 $0x1  }
0x13: {  	[smem:$0x3FB1] =	sst s0;
	s0 =	simm.s32 @!p1 $0x0  }
0x14: {  	s2 =	sld [smem:$0x3F95];
	s0 =	simm.s32 @p1 $0x1  }
0x15: {  	[smem:$0x3FB2] =	sst s0;
	s0 =	simm.s32 @!p2 $0x0  }
0x16: {  	s3 =	sld [smem:$0x3FDB];
	s0 =	simm.s32 @p2 $0x1  }
0x17: {  	s4 =	simm.s32 $0x1BF5;
	[smem:$0x3FB4] =	sst s0  }
0x18: {  	s0 =	sld [smem:$0x3F97];
	_ =	swait.ge [sflag:s4], $0x0  }
0x19: {  	s7 =	sld [smem:$0x3F98]  }
0x1a: {  	s8 =	sadd.s32 $0xFFFFE003, lr  }
0x1b: {  	s9 =	sadd.s32 $0xFFFFFEF7, lr;
	s5 =	simm.s32 $0xFFFFFFFF;
	p2 =	slt.u32 s8, $0xFFFFF086  }
0x1c: {  	p1 =	slt.u32 s9, $0xF7A;
	s5 =	simm.s32 @!p2 $0x0  }
0x1d: {  	s5 =	simm.s32 @p1 $0x1;
	p0 =	seq.s32 s7, s2  }
0x1e: {  	s7 =	smul.u32 @!p0 $0xF7A, s2;
	p2 =	seq.s32 @!p0 s5, $0x0  }
0x1f: {  	s9 =	smul.u32 $0xF7A, s1;
	s8 =	simm.s32 @!p0 $0x1BF5;
	p2 =	por !p2, p0  }
0x20: {  	[sflag:s8] =	ssyncset.s32 @!p0 $0xFFFFF086;
	s6 =	sadd.s32 @!p0 s3, s7;
	s7 =	simm.s32 @!p0 $0x108  }
0x21: {  	s3 =	sadd.s32 s3, s9;
	s6 =	sadd.s32 @!p0 $0x88, s6;
	s7 =	simm.s32 @p2 $0x1082  }
0x22: {  	[simem:s7], [sflag:s8] =	dma.local @!p0 [hbm:s6], $0xF7A  }
0x23: {  	s9 =	sor.u32 $0xD0000000, s2;
	s6 =	simm.s32 $0x108;
	_ =	swait.ge @!p0 [sflag:s8], $0x0  }
0x24: {  	s3 =	sadd.s32 $0x88, s3;
	s6 =	simm.s32 @!p1 $0x1082;
	[sflag:s4] =	ssyncset.s32 $0xFFFFF086  }
0x25: {  	[simem:s6], [sflag:s4] =	dma.local [hbm:s3], $0xF7A  }
0x26: {  	[smem:$0x3F98] =	sst s1;
	(tag) =	ssettag s2;
	_ =	strace s9  }
0x27: {  	s1 =	sld [smem:$0x3FA8]  }
0x28: {  	s2 =	sld [smem:$0x3FA9]  }
0x29: {  	s4 =	sld [smem:$0x3FAB]  }
0x2a: {  	p0 =	seq.s32 s5, $0x0;
	s5 =	sld [smem:$0x3FAC]  }
0x2b: {  	s6 =	sld [smem:$0x3FAD]  }
0x2c: {  	s7 =	sld [smem:$0x3FAE]  }
0x2d: {  	s3 =	simm.s32 $0x108;
	s8 =	sld [smem:$0x3FAF]  }
0x2e: {  	s3 =	simm.s32 @!p0 $0x1082;
	s9 =	sld [smem:$0x3FB0]  }
0x2f: {  	lr =	sadd.s32 s0, s3;
	s0 =	sld [smem:$0x3FA7]  }
0x30: {  	s3 =	sld [smem:$0x3FAA]  }
0x31: {  	[smem:$0x3FB3] =	sst s10  }
0x32: {  	s10 =	sld [smem:$0x3FB1];
	_ =	sdelay $0x3  }
0x33: {  	p0 =	seq.s32 s10, $0x1;
	s10 =	sld [smem:$0x3FB3];
	_ =	sdelay $0x3  }
0x34: {  	[smem:$0x3FB3] =	sst s10  }
0x35: {  	s10 =	sld [smem:$0x3FB2];
	_ =	sdelay $0x3  }
0x36: {  	p1 =	seq.s32 s10, $0x1;
	s10 =	sld [smem:$0x3FB3];
	_ =	sdelay $0x3  }
0x37: {  	[smem:$0x3FB3] =	sst s10  }
0x38: {  	s10 =	sld [smem:$0x3FB4]  }
0x39: {  	_ = 	snop;
	(pc) =	sbr.ind lr, $3  }
0x3a: {  	_ = 	snop  }
0x3b: {  	_ = 	snop  }
0x3c: {  	p2 =	seq.s32 s10, $0x1;
	s10 =	sld [smem:$0x3FB3]  }
0x3d: {  	_ =	shalt  }
0x3e: {  	_ =	shalt  }
0x3f: {  	_ =	shalt  }
0x40: {  	_ =	shalt  }
0x41: {  	_ =	shalt  }
0x42: {  	_ =	shalt  }
0x43: {  	_ =	shalt  }
0x44: {  	_ =	shalt  }
0x45: {  	_ =	shalt  }
0x46: {  	_ =	shalt  }
0x47: {  	_ =	shalt  }
0x48: {  	_ =	shalt  }
0x49: {  	_ =	shalt  }
0x4a: {  	_ =	shalt  }
0x4b: {  	_ =	shalt  }
0x4c: {  	_ =	shalt  }
0x4d: {  	_ =	shalt  }
0x4e: {  	_ =	shalt  }
0x4f: {  	_ =	shalt  }
0x50: {  	_ =	shalt  }
0x51: {  	_ =	shalt  }
0x52: {  	_ =	shalt  }
0x53: {  	_ =	shalt  }
0x54: {  	_ =	shalt  }
0x55: {  	_ =	shalt  }
0x56: {  	_ =	shalt  }
0x57: {  	_ =	shalt  }
0x58: {  	_ =	shalt  }
0x59: {  	_ =	shalt  }
0x5a: {  	_ =	shalt  }
0x5b: {  	_ =	shalt  }
0x5c: {  	_ =	shalt  }
0x5d: {  	_ =	shalt  }
0x5e: {  	_ =	shalt  }
0x5f: {  	_ =	shalt  }
0x60: {  	_ =	shalt  }
0x61: {  	_ =	shalt  }
0x62: {  	_ =	shalt  }
0x63: {  	_ =	shalt  }
0x64: {  	_ =	shalt  }
0x65: {  	_ =	shalt  }
0x66: {  	_ =	shalt  }
0x67: {  	_ =	shalt  }
0x68: {  	_ =	shalt  }
0x69: {  	_ =	shalt  }
0x6a: {  	_ =	shalt  }
0x6b: {  	_ =	shalt  }
0x6c: {  	_ =	shalt  }
0x6d: {  	_ =	shalt  }
0x6e: {  	_ =	shalt  }
0x6f: {  	_ =	shalt  }
0x70: {  	_ =	shalt  }
0x71: {  	_ =	shalt  }
0x72: {  	_ =	shalt  }
0x73: {  	_ =	shalt  }
0x74: {  	_ =	shalt  }
0x75: {  	_ =	shalt  }
0x76: {  	_ =	shalt  }
0x77: {  	_ =	shalt  }
0x78: {  	_ =	shalt  }
0x79: {  	_ =	shalt  }
0x7a: {  	_ =	shalt  }
0x7b: {  	_ =	shalt  }
0x7c: {  	_ =	shalt  }
0x7d: {  	_ =	shalt  }
0x7e: {  	_ =	shalt  }
0x7f: {  	_ =	shalt  }
0x80: {  	_ =	shalt  }
0x81: {  	_ =	shalt  }
0x82: {  	_ =	shalt  }
0x83: {  	_ =	shalt  }
0x84: {  	_ =	shalt  }
0x85: {  	_ =	shalt  }
0x86: {  	_ =	shalt  }
0x87: {  	_ =	shalt  }
.Lfunc_end0:
.L_simem_size_0:
called_computation_lowered:
.L_overlay_start_0:
0x88: {  	s2 =	sld [smem:$0x3FD9]  }
0x89: {  	s3 =	sld [smem:$0x3FFE];
	_ =	sdelay $0x1  }
0x8a: {  	s1 =	srdreg.scid  }
0x8b: {  	s0 =	sand.u32 $0x1, s1  }
0x8c: {  	s17 =	sshll.u32 s0, $0xA;
	s2 =	sadd.s32 s3, s2  }
0x8d: {  	s2 =	sadd.s32 s2, s17  }
0x8e: {  	[smem:$0x3FBF] =	sst s2  }
0x8f: {  	_ = 	snop  }
0x90: {  	s2 =	sld [smem:$0x3FD0];
	(tm) =	ssettm $0x1  }
0x91: {  	s18 =	sld [smem:$0x3FFB];
	_ =	sdelay $0x3  }
0x92: {  	_ =	strace s18  }
0x93: {  	s3 =	sld [smem:$0x3FFC];
	_ =	sdelay $0x3  }
0x94: {  	_ =	strace s3  }
0x95: {  	s3 =	sld [smem:$0x3FFD];
	_ =	sdelay $0x3  }
0x96: {  	_ =	strace s3  }
0x97: {  	_ =	strace $0x8FFFFFFF  }
0x98: {  	s19 =	sld [smem:$0x3FDB];
	_ =	sdelay $0x1  }
0x99: {  	s4 =	simm.s32 $_scs_section_size  }
0x9a: {  	s5 =	simm.s32 $_size__tile_overlayer_lowered;
	s6 =	simm.s32 $_tile_overlayer_lowered  }
0x9b: {  	s22 =	simm.s32 $0x1BFF;
	s21 =	sshll.u32 s6, $0x1;
	s3 =	sadd.s32 s4, s19  }
0x9c: {  	s7 =	simm.s32 $0x0;
	s20 =	sshll.u32 s5, $0x1;
	s5 =	sadd.s32 s21, s3  }
0x9d: {  	[timem:s7], [sflag:s22] =	dma.local [hbm:s5], s20  }
0x9e: {  	_ =	swait.ge [sflag:s22], s20  }
0x9f: {  	s4 =	ssub.s32 $0x0, s20;
	[sflag:s22] =	ssyncset.done $0x0  }
0xa0: {  	[sflag:s22] =	ssyncadd.s32 s4;
	_ =	sdelay $0x1  }
0xa1: {  	s23 =	simm.s32 $0x1B8B  }
0xa2: {  	_ =	swait.ge [sflag:s23], $0x1  }
0xa3: {  	[sflag:s23] =	ssyncset.done $0x0  }
0xa4: {  	s25 =	simm.s32 $0x1B8E;
	s24 =	sld [smem:$0x3FFE];
	[sflag:s23] =	ssyncadd.s32 $0xFFFFFFFF  }
0xa5: {  	s26 =	simm.s32 $execute0_lowered;
	[smem:$0x3FD2] =	sst s25  }
0xa6: {  	s5 =	sshll.u32 s26, $0x1;
	_ =	strace $0x80000046;
	[dreg:$0x1] =	wrdreg $0xFFFFFFFF  }
0xa7: {  	s28 =	simm.s32 $_size_execute0_lowered;
	s3 =	sadd.s32 s3, s5;
	[dreg:$0x0] =	wrdreg $0x0  }
0xa8: {  	s5 =	sshll.u32 s28, $0x1;
	[dreg:$0x2] =	wrdreg s3  }
0xa9: {  	[dreg:$0x3] =	wrdreg s5  }
0xaa: {  	[dreg:$0x4] =	wrdreg $0xC0  }
0xab: {  	_ =	task [dreg:s7], $0x5FFFF  }
0xac: {  	[dreg:$0x1] =	wrdreg $0xFFFFFFFF  }
0xad: {  	[dreg:$0x0] =	wrdreg $0x60  }
0xae: {  	[dreg:$0x2] =	wrdreg s24  }
0xaf: {  	[dreg:$0x3] =	wrdreg s2  }
0xb0: {  	[dreg:$0x4] =	wrdreg $0x2B800  }
0xb1: {  	[dreg:$0x5] =	wrdreg $0x9  }
0xb2: {  	_ =	task.clear_ibuf [dreg:s7], $0x6FFFF;
	_ =	strace $0x90000046  }
0xb3: {  	s29 =	simm.s32 $0x9;
	_ =	strace $0x80000048  }
0xb4: {  	_ =	swait.ge [sflag:s29], $0x1  }
0xb5: {  	[sflag:s29] =	ssyncadd.s32 $0xFFFFFFFF  }
0xb6: {  	_ =	strace $0x90000048  }
0xb7: {  	_ =	sfence  }
0xb8: {  	s30 =	sld [smem:$0x0];
	_ =	sdelay $0x2  }
0xb9: {  	s31 =	sshll.u32 s1, $0xD;
	s1 =	sshrl.u32 s1, $0x2  }
0xba: {  	s3 =	sand.u32 $0x4000, s31;
	s1 =	sadd.s32 s1, s30  }
0xbb: {  	s0 =	sor.u32 s3, s0;
	s1 =	sshll.u32 s1, $0x11  }
0xbc: {  	s0 =	sor.u32 s1, s0  }
0xbd: {  	s0 =	sadd.s32 $0x8F2B, s0  }
0xbe: {  	[sflag:s0] =	ssyncadd.remote.s32 $0x1  }
0xbf: {  	_ =	sfence.sel $0xFFFF  }
0xc0: {  	[dreg:$0x0] =	wrdreg $0xFFFFFFFF;
	(pc) =	sbr.abs _section_cstart, $3  }
0xc1: {  	[dreg:$0x1] =	wrdreg $0xFFFFFFFF  }
0xc2: {  	_ =	task.clear_ibuf [dreg:s7], $0x2FFFF;
	_ =	strace $0x9FFFFFFF  }
0xc3: {  	(tm) =	ssettm $0x7FFFFFFF  }
tec
execute0_lowered:
.L_overlay_start_1:
0x0: {  	(tag) =	ssettag $0x1  }
0x1: {  	s6 =	rddreg [dreg:$0x0]  }
0x2: {  	s2 =	rddreg [dreg:$0x1]  }
0x3: {  	s0 =	srdreg.scid;
	s3 =	rddreg [dreg:$0x2]  }
0x4: {  	s1 =	stileid.u32;
	s4 =	simm.s32 $0x0;
	s12 =	simm.s32 $0x2780  }
0x5: {  	s13 =	simm.s32 $0x80;
	s5 =	sand.u32 $0x1, s0;
	s0 =	rddreg [dreg:$0x3]  }
0x6: {  	s14 =	simm.s32 $0x0;
	s8 =	smul.u32 $0x1400, s1;
	[smem:$0x7FF] =	sst s4  }
0x7: {  	s31 =	sshll.u32 s1, $0x6;
	s7 =	sshll.u32 s5, $0x4;
	s9 =	smul.u32 $0x14000, s5  }
0x8: {  	_ =	strace $0x80000047;
	s10 =	ssub.s32 $0x2, s5;
	s7 =	sor.u32 s1, s7  }
0x9: {  	s5 =	sadd.s32 $0xC600, s6;
	s7 =	smul.u32 $0x4F0, s7;
	s9 =	sadd.s32 s8, s9  }
0xa: {  	s30 =	sshrl.u32 s10, $0x1;
	s11 =	sadd.s32 s8, s3;
	s9 =	sshrl.u32 s9, $0x3  }
0xb: {  	s10 =	ssub.s32 s10, s30;
	s7 =	sadd.s32 s7, s6;
	s9 =	sadd.s32 s9, s6  }
0xc: {  	s6 =	sor.u32 $0x1C01, s31;
	s7 =	sadd.s32 $0x2800, s7;
	s8 =	sadd.s32 $0xCA00, s9  }
0xd: {  	s9 =	smax.u32 s10, $0x1;
	s10 =	sshrl.u32 s11, $0x3;
	s11 =	simm.s32 $0x1  }
.LBB2_1:
0xe: {  	[spmem:s10], [sflag:s6] =	dma.local [hbm:s5], $0x280  }
0xf: {  	_ =	swait.ge [sflag:s11], $0x280  }
0x10: {  	[sflag:s11] =	ssyncset.done $0x0  }
0x11: {  	[sflag:s11] =	ssyncadd.s32 $0xFFFFFD80  }
0x12: {  	[tilespmem:s12], [sflag:$0x1] =	stream.linear.gather [hbm4b:s2+s4], $0x400, $0x38;
	[tilespmem:$0x3F80] =	vst v63  }
0x13: {  	_ =	swait.ge [sflag:s11], $0x400  }
0x14: {  	[sflag:s11] =	ssyncset.done $0x0  }
0x15: {  	[sflag:s11] =	ssyncadd.s32 $0xFFFFFC00  }
0x16: {  	[bflag:$0x0] =	sbarrier.arrive $0xFFFF  }
0x17: {  	[tilespmem:s4], [sflag:$0x1] =	stream.linear.gather [hbm4b:s7+s4], $0x2780, $0x38;
	[tilespmem:$0x3F80] =	vst v63  }
0x18: {  	_ =	swait.ge [sflag:s11], $0x2780  }
0x19: {  	[sflag:s11] =	ssyncset.done $0x0  }
0x1a: {  	s15 =	simm.s32 $0x0;
	[sflag:s11] =	ssyncadd.s32 $0xFFFFD880  }
0x1b: {  	[spmem:s3] =	stream.indirect.scatter.add.f32 [tilespmem:s12], [sflag:$0x1], $0x8, s15, s13, $0xb8;
	[tilespmem:$0x3F80] =	vst v63  }
0x1c: {  	_ =	swait.ge [sflag:s11], $0x400  }
0x1d: {  	s15 =	simm.s32 $0x200;
	[sflag:s11] =	ssyncset.done $0x0  }
.LBB2_2:
0x1e: {  	s16 =	sshra.s32 s15, $0x2;
	[sflag:s11] =	ssyncadd.s32 $0xFFFFFC00;
	p0 =	sne.s32 s15, $0x9C00  }
0x1f: {  	[spmem:s3] =	stream.indirect.scatter.add.f32 [tilespmem:s12], [sflag:$0x1], $0x8, s16, s13, $0xb8;
	[tilespmem:$0x3F80] =	vst v63  }
.Ltmp0:
0x20: {  	_ = 	snop;
	(pc) =	sbr.rel @p0 .LBB2_2-.Ltmp0, $4  }
0x21: {  	_ = 	snop  }
0x22: {  	s15 =	sadd.s32 $0x200, s15  }
0x23: {  	_ =	swait.ge [sflag:s11], $0x400  }
0x24: {  	[sflag:s11] =	ssyncset.done $0x0  }
0x25: {  	s14 =	sadd.s32 $0x1, s14  }
0x26: {  	[sflag:s11] =	ssyncadd.s32 $0xFFFFFC00;
	p0 =	sne.s32 s14, s9  }
.Ltmp1:
0x27: {  	[bflag:$0x0] =	sbarrier.arrive $0xFFFF;
	(pc) =	sbr.rel @p0 .LBB2_1-.Ltmp1, $4  }
0x28: {  	[hbm:s8], [sflag:s6] =	dma.local [spmem:s10], $0x280  }
0x29: {  	_ =	swait.ge [sflag:s11], $0x280  }
0x2a: {  	[sflag:s11] =	ssyncset.done $0x0  }
0x2b: {  	[sflag:s11] =	ssyncadd.s32 $0xFFFFFD80  }
0x2c: {  	_ =	sfence.sel $0x180000  }
0x2d: {  	[bflag:$0x0] =	sbarrier.arrive $0xFFFF  }
0x2e: {  	p0 =	sne.s32 s1, $0x0;
	_ =	strace $0x90000047  }
0x2f: {  	s0 =	sadd.s32 @!p0 $0x100000, s0;
	[bflag:$0x2] =	sbarrier.arrive $0xFFFF  }
0x30: {  	[sflag:s0] =	ssyncadd.tile.s32 @!p0 $0x1;
	_ =	shalt  }
.Lfunc_end2:
_tile_overlayer_lowered:
.L_overlay_start_2:
0x31: {  	(tag) =	ssettag $0x2  }
0x32: {  	s0 =	rddreg [dreg:$0x0];
	s2 =	stileid.u32  }
0x33: {  	s1 =	rddreg [dreg:$0x1];
	p0 =	sne.s32 s2, $0x0  }
0x34: {  	s3 =	rddreg [dreg:$0x2];
	[bflag:$0x3] =	sbarrier.arrive $0xFFFF;
	s2 =	simm.s32 @!p0 $0x1C01  }
0x35: {  	[timem:s3], [sflag:s2] =	dma.local @!p0 [hbm:s0], s1  }
0x36: {  	s0 =	simm.s32 @!p0 $0x1  }
0x37: {  	_ =	swait.ge @!p0 [sflag:s0], s1  }
0x38: {  	s1 =	ssub.s32 @!p0 $0x0, s1;
	[sflag:s0] =	ssyncset.done @!p0 $0x0  }
0x39: {  	[sflag:s0] =	ssyncadd.s32 @!p0 s1  }
0x3a: {  	[bflag:$0x3] =	sbarrier.arrive $0xFFFF  }
0x3b: {  	_ =	shalt  }

</sc_bundles>
